<compile_context>
chip_gen: v7x
topology: tpu7x:2x2x1
jax: 0.10.2.dev20260603
libtpu: 0.0.44.dev20260713+nightly
codegen_flags: <defaults>
</compile_context>

<pallas_src>
import functools

import jax
import jax.numpy as jnp
from jax import lax
from jax.experimental import pallas as pl
from jax.experimental.pallas import tpu as pltpu
from jax.experimental.pallas import tpu_sc as plsc

N_NODES = 10000
N_EDGES = 320000
HID = 128
NUM_TYPES = 128

NC, NS, LANES = 2, 16, 16
NW = NC * NS
NTILES = N_EDGES // 128
TPW = NTILES // NW
XTRA = NTILES - TPW * NW
ROWS = TPW + 1
EPW_PAD = ROWS * 128
CWORDS = N_NODES * HID
CWORDS_A = CWORDS + 128
ZCH = 4000
CW_PER_SUB = CWORDS // NS


def _sc_body(nt_hbm, adj_hbm, out_hbm,
             nt_v, edges_v, idx2, ones_v, zbuf, c_sh,
             sem_in, sem_z, sem_s):
    c = lax.axis_index("c")
    s = lax.axis_index("s")
    wid = s * NC + c
    ntiles = TPW + jnp.where(wid < XTRA, 1, 0)
    tile0 = TPW * wid + jnp.minimum(wid, XTRA)

    pltpu.make_async_copy(nt_hbm, nt_v, sem_in).start()
    pltpu.make_async_copy(adj_hbm.at[:, pl.ds(tile0 * 128, TPW * 128)],
                          edges_v.at[:, pl.ds(0, TPW * 128)], sem_in).start()

    @pl.when(wid < XTRA)
    def _fire_extra():
        pltpu.make_async_copy(adj_hbm.at[:, pl.ds((tile0 + TPW) * 128, 128)],
                              edges_v.at[:, pl.ds(TPW * 128, 128)],
                              sem_in).start()

    def _zb(i, carry):
        zbuf[pl.ds(i * LANES, LANES)] = jnp.zeros((LANES,), jnp.float32)
        return carry
    lax.fori_loop(0, ZCH // LANES, _zb, 0)
    for l in range(128 // LANES):
        ones_v[pl.ds(l * LANES, LANES)] = jnp.ones((LANES,), jnp.float32)

    def _zfire(k, carry):
        pltpu.make_async_copy(
            zbuf, c_sh.at[pl.ds(s * CW_PER_SUB + k * ZCH, ZCH)],
            sem_z).start()
        return carry
    lax.fori_loop(0, CW_PER_SUB // ZCH, _zfire, 0)

    pltpu.make_async_copy(nt_hbm, nt_v, sem_in).wait()
    pltpu.make_async_copy(adj_hbm.at[:, pl.ds(tile0 * 128, TPW * 128)],
                          edges_v.at[:, pl.ds(0, TPW * 128)], sem_in).wait()

    @pl.when(wid < XTRA)
    def _drain_extra():
        pltpu.make_async_copy(adj_hbm.at[:, pl.ds((tile0 + TPW) * 128, 128)],
                              edges_v.at[:, pl.ds(TPW * 128, 128)],
                              sem_in).wait()

    def _grp(r, carry):
        for l in range(8):
            off = r * 128 + l * LANES
            sv = edges_v[0, pl.ds(off, LANES)]
            dv = edges_v[1, pl.ds(off, LANES)]
            tv = plsc.load_gather(nt_v, [sv])
            idx2[r, pl.ds(l * LANES, LANES)] = dv * HID + tv
        return carry
    lax.fori_loop(0, ntiles, _grp, 0)

    def _zdrain(k, carry):
        pltpu.make_async_copy(
            zbuf, c_sh.at[pl.ds(s * CW_PER_SUB + k * ZCH, ZCH)],
            sem_z).wait()
        return carry
    lax.fori_loop(0, CW_PER_SUB // ZCH, _zdrain, 0)
    plsc.subcore_barrier()

    def _sfire(j, carry):
        pltpu.make_async_copy(ones_v, c_sh.at[idx2.at[j]], sem_s).start(
            add=True)
        return carry
    lax.fori_loop(0, ntiles, _sfire, 0)

    def _sdrain(j, carry):
        pltpu.make_async_copy(ones_v, c_sh.at[idx2.at[j]], sem_s).wait()
        return carry
    lax.fori_loop(0, ntiles, _sdrain, 0)

    plsc.subcore_barrier()

    pltpu.sync_copy(c_sh.at[pl.ds(s * CW_PER_SUB, CW_PER_SUB)],
                    out_hbm.at[c, pl.ds(s * CW_PER_SUB, CW_PER_SUB)])


_sc_count = functools.partial(
    pl.kernel,
    mesh=plsc.VectorSubcoreMesh(core_axis_name="c", subcore_axis_name="s"),
    compiler_params=pltpu.CompilerParams(needs_layout_passes=False),
    out_type=jax.ShapeDtypeStruct((NC, CWORDS), jnp.float32),
    scratch_types=[
        pltpu.VMEM((N_NODES,), jnp.int32),
        pltpu.VMEM((2, EPW_PAD), jnp.int32),
        pltpu.VMEM((ROWS, 128), jnp.int32),
        pltpu.VMEM((128,), jnp.float32),
        pltpu.VMEM((ZCH,), jnp.float32),
        pltpu.VMEM_SHARED((CWORDS,), jnp.float32),
        pltpu.SemaphoreType.DMA,
        pltpu.SemaphoreType.DMA,
        pltpu.SemaphoreType.DMA,
    ],
)(_sc_body)


BLK = 2000
NBLK = N_NODES // BLK


def _tc_feat_body(nt_ref, e_ref, out_ref):
    nt = nt_ref[0, 0, :]
    ids = lax.broadcasted_iota(jnp.int32, (BLK, NUM_TYPES), 1)
    oh = (nt[:, None] == ids).astype(jnp.float32)
    out_ref[...] = jnp.dot(oh, e_ref[...], preferred_element_type=jnp.float32)


def _tc_feat(nt3, emb_table):
    return pl.pallas_call(
        _tc_feat_body,
        grid=(NBLK,),
        in_specs=[
            pl.BlockSpec((1, 1, BLK), lambda i: (i, 0, 0)),
            pl.BlockSpec((NUM_TYPES, HID), lambda i: (0, 0)),
        ],
        out_specs=pl.BlockSpec((BLK, HID), lambda i: (i, 0)),
        out_shape=jax.ShapeDtypeStruct((N_NODES, 2 * HID), jnp.float32),
    )(nt3, emb_table)


def _tc_proc_body(prev_ref, c2_ref, e_ref, w_ref, b_ref, out_ref):
    del prev_ref
    csum = (c2_ref[0] + c2_ref[1]).reshape(BLK, HID)
    deg = jnp.sum(csum, axis=1, keepdims=True)
    agg = jnp.dot(csum, e_ref[...], preferred_element_type=jnp.float32)
    mean = agg / jnp.maximum(deg, 1.0)
    out_ref[...] = jnp.maximum(
        jnp.dot(mean, w_ref[...], preferred_element_type=jnp.float32)
        + b_ref[...], 0.0)


def _tc_proc(prev, c2, emb_table, W, b2):
    return pl.pallas_call(
        _tc_proc_body,
        grid=(NBLK,),
        in_specs=[
            pl.BlockSpec(memory_space=pl.ANY),
            pl.BlockSpec((NC, BLK * HID), lambda i: (0, i)),
            pl.BlockSpec((NUM_TYPES, HID), lambda i: (0, 0)),
            pl.BlockSpec((HID, HID), lambda i: (0, 0)),
            pl.BlockSpec((1, HID), lambda i: (0, 0)),
        ],
        out_specs=pl.BlockSpec((BLK, HID), lambda i: (i, 1)),
        out_shape=jax.ShapeDtypeStruct((N_NODES, 2 * HID), jnp.float32),
        input_output_aliases={0: 0},
    )(prev, c2, emb_table, W, b2)


def kernel(node_type, node_row_splits, adjacency, emb_table, W, b):
    del node_row_splits
    nt = node_type.astype(jnp.int32)
    adj = adjacency.astype(jnp.int32)
    c2 = _sc_count(nt, adj)
    nt3 = nt.reshape(NBLK, 1, BLK)
    feat_half = _tc_feat(nt3, emb_table)
    out = _tc_proc(feat_half, c2, emb_table, W,
                   b.reshape(1, HID))
    return out

# --- scband reference (transcript-rebuilt; emitter-appended) ---
"""Pipeline reference for scband-gnnencoder-66202625900811 (READ-ONLY COPY).

The authoritative reference and input builder live on the scoring server;
editing this copy changes nothing except your own understanding.
"""

import jax, jax.numpy as jnp
import numpy as np

N_NODES = 10000
N_EDGES = 320000
HIDDEN = 128
NUM_NODE_TYPES = 128
NUM_GRAPHS = 16

def setup_inputs(seed: int = 0) -> dict:
    key = jax.random.key(seed)
    k1, k2, k3, k4, k5 = jax.random.split(key, 5)
    node_type = jax.random.randint(k1, (N_NODES,), 0, NUM_NODE_TYPES, dtype=jnp.int64 if jax.config.jax_enable_x64 else jnp.int32)
    node_row_splits = jnp.sort(jax.random.randint(k2, (NUM_GRAPHS + 1,), 0, N_NODES))
    adjacency = jax.random.randint(k3, (2, N_EDGES), 0, N_NODES)
    # learned parameters
    emb_table = jax.random.normal(k4, (NUM_NODE_TYPES, HIDDEN), dtype=jnp.float32) * 0.02
    W = jax.random.normal(k5, (HIDDEN, HIDDEN), dtype=jnp.float32) * (1.0 / np.sqrt(HIDDEN))
    b = jnp.zeros((HIDDEN,), dtype=jnp.float32)
    return {"node_type": node_type, "node_row_splits": node_row_splits, "adjacency": adjacency,
            "emb_table": emb_table, "W": W, "b": b}

def reference(node_type, node_row_splits, adjacency, emb_table, W, b):
    # initial node embedding (tf.keras.layers.Embedding)
    initial_features = jnp.take(emb_table, node_type, axis=0)  # [N, H]
    # _compute_node_features: one mean-aggregation message-passing step
    src = adjacency[0]
    dst = adjacency[1]
    msgs = jnp.take(initial_features, src, axis=0)  # gather [E, H]
    agg = jax.ops.segment_sum(msgs, dst, num_segments=N_NODES)  # scatter-add [N, H]
    deg = jax.ops.segment_sum(jnp.ones((msgs.shape[0],), dtype=jnp.float32), dst, num_segments=N_NODES)
    mean = agg / jnp.maximum(deg, 1.0)[:, None]
    processed = jax.nn.relu(mean @ W + b)
    # skip concat connection
    return jnp.concatenate([initial_features, processed], axis=-1)

if __name__ == "__main__":
    import jax
    _d = setup_inputs()
    print(jax.jit(kernel)(*tuple(_d.values())))

</pallas_src>

<mosaic_0001>
#map = affine_map<(d0, d1) -> (0)>
#map1 = affine_map<(d0, d1) -> (0, 0)>
module attributes {stable_mosaic.version = 14 : i64} {
  func.func @_sc_body(%arg0: i32, %arg1: i32, %arg2: memref<10000xi32, #tpu.memory_space<hbm>>, %arg3: memref<2x320000xi32, #tpu.memory_space<hbm>>, %arg4: memref<2x1280000xf32, #tpu.memory_space<hbm>>, %arg5: memref<10000xi32, #tpu.memory_space<vmem>>, %arg6: memref<2x10112xi32, #tpu.memory_space<vmem>>, %arg7: memref<79x128xi32, #tpu.memory_space<vmem>>, %arg8: memref<128xf32, #tpu.memory_space<vmem>>, %arg9: memref<4000xf32, #tpu.memory_space<vmem>>, %arg10: memref<1280000xf32, #tpu.memory_space<vmem_shared>>, %arg11: memref<!tpu.dma_semaphore, #tpu.memory_space<semaphore_mem>>, %arg12: memref<!tpu.dma_semaphore, #tpu.memory_space<semaphore_mem>>, %arg13: memref<!tpu.dma_semaphore, #tpu.memory_space<semaphore_mem>>) attributes {dimension_semantics = [#tpu.dimension_semantics<core_parallel>, #tpu.dimension_semantics<subcore_parallel>], iteration_bounds = array<i64: 2, 16>, scalar_prefetch = 0 : i64, scratch_operands = 9 : i64, tpu.core_type = #tpu.core_type<sc_vector_subcore>, window_params = [{transform_indices = #map}, {transform_indices = #map1}, {transform_indices = #map1}]} {
    %mul3A = arith.constant 2 : i32
    %mul3A_0 = arith.muli %arg1, %mul3A : i32
    %add3A = arith.addi %mul3A_0, %arg0 : i32
    %lt3A = arith.constant 4 : i32
    %lt3A_1 = arith.cmpi slt, %add3A, %lt3A : i32
    %jit3A = arith.constant 1 : i32
    %jit3A_2 = arith.constant 0 : i32
    %select_n3A = arith.select %lt3A_1, %jit3A, %jit3A_2 : i32
    %add3A_3 = arith.constant 78 : i32
    %add3A_4 = arith.addi %add3A_3, %select_n3A : i32
    %mul3A_5 = arith.constant 78 : i32
    %mul3A_6 = arith.muli %mul3A_5, %add3A : i32
    %min3A = arith.constant 4 : i32
    %min3A_7 = arith.minsi %add3A, %min3A : i32
    %add3A_8 = arith.addi %mul3A_6, %min3A_7 : i32
    tpu.enqueue_dma source(%arg2 : memref<10000xi32, #tpu.memory_space<hbm>>) target(%arg5 : memref<10000xi32, #tpu.memory_space<vmem>>) target_semaphore(%arg11 : memref<!tpu.dma_semaphore, #tpu.memory_space<semaphore_mem>>)
    %mul3A_9 = arith.constant 128 : i32
    %mul3A_10 = arith.muli %add3A_8, %mul3A_9 : i32
    %dma_start3A = arith.constant 0 : i32
    %dma_start3A_11 = arith.constant 0 : i32
    %dma_start3A_12 = tpu.memref_slice %arg6[%dma_start3A, %dma_start3A_11] : memref<2x10112xi32, #tpu.memory_space<vmem>> -> memref<2x9984xi32, #tpu.memory_space<vmem>>
    %dma_start3A_13 = arith.constant 0 : i32
    %dma_start3A_14 = tpu.memref_slice %arg3[%dma_start3A_13, %mul3A_10] : memref<2x320000xi32, #tpu.memory_space<hbm>> -> memref<2x9984xi32, #tpu.memory_space<hbm>>
    %dma_start3A_15 = arith.constant 0 : i32
    %dma_start3A_16 = arith.constant 0 : i32
    %dma_start3A_17 = tpu.memref_slice %arg6[%dma_start3A_15, %dma_start3A_16] : memref<2x10112xi32, #tpu.memory_space<vmem>> -> memref<2x9984xi32, #tpu.memory_space<vmem>>
    %dma_start3A_18 = arith.constant 0 : i32
    %dma_start3A_19 = tpu.memref_slice %arg3[%dma_start3A_18, %mul3A_10] : memref<2x320000xi32, #tpu.memory_space<hbm>> -> memref<2x9984xi32, #tpu.memory_space<hbm>>
    tpu.enqueue_dma source(%dma_start3A_19 : memref<2x9984xi32, #tpu.memory_space<hbm>>) target(%dma_start3A_17 : memref<2x9984xi32, #tpu.memory_space<vmem>>) target_semaphore(%arg11 : memref<!tpu.dma_semaphore, #tpu.memory_space<semaphore_mem>>)
    %lt3A_20 = arith.constant 4 : i32
    %lt3A_21 = arith.cmpi slt, %add3A, %lt3A_20 : i32
    %convert_element_type3A = arith.extui %lt3A_21 : i1 to i32
    %cond3A = arith.constant 0 : i32
    %cond3A_22 = arith.cmpi ne, %convert_element_type3A, %cond3A : i32
    scf.if %cond3A_22 {
      %add3A_120 = arith.constant 78 : i32
      %add3A_121 = arith.addi %add3A_8, %add3A_120 : i32
      %mul3A_122 = arith.constant 128 : i32
      %mul3A_123 = arith.muli %add3A_121, %mul3A_122 : i32
      %dma_start3A_124 = arith.constant 0 : i32
      %dma_start3A_125 = arith.constant 9984 : i32
      %dma_start3A_126 = tpu.memref_slice %arg6[%dma_start3A_124, %dma_start3A_125] : memref<2x10112xi32, #tpu.memory_space<vmem>> -> memref<2x128xi32, #tpu.memory_space<vmem>>
      %dma_start3A_127 = arith.constant 0 : i32
      %dma_start3A_128 = tpu.memref_slice %arg3[%dma_start3A_127, %mul3A_123] : memref<2x320000xi32, #tpu.memory_space<hbm>> -> memref<2x128xi32, #tpu.memory_space<hbm>>
      %dma_start3A_129 = arith.constant 0 : i32
      %dma_start3A_130 = arith.constant 9984 : i32
      %dma_start3A_131 = tpu.memref_slice %arg6[%dma_start3A_129, %dma_start3A_130] : memref<2x10112xi32, #tpu.memory_space<vmem>> -> memref<2x128xi32, #tpu.memory_space<vmem>>
      %dma_start3A_132 = arith.constant 0 : i32
      %dma_start3A_133 = tpu.memref_slice %arg3[%dma_start3A_132, %mul3A_123] : memref<2x320000xi32, #tpu.memory_space<hbm>> -> memref<2x128xi32, #tpu.memory_space<hbm>>
      tpu.enqueue_dma source(%dma_start3A_133 : memref<2x128xi32, #tpu.memory_space<hbm>>) target(%dma_start3A_131 : memref<2x128xi32, #tpu.memory_space<vmem>>) target_semaphore(%arg11 : memref<!tpu.dma_semaphore, #tpu.memory_space<semaphore_mem>>)
    } else {
    }
    %scan3A = arith.constant 0 : i32
    %scan3A_23 = arith.constant 0 : i32
    %scan3A_24 = arith.constant 250 : i32
    %scan3A_25 = arith.addi %scan3A_23, %scan3A_24 : i32
    %scan3A_26 = arith.constant 1 : i32
    scf.for %scan3A_120 = %scan3A_23 to %scan3A_25 step %scan3A_26  : i32 {
      %broadcast_in_dim3A_121 = arith.constant 0.000000e+00 : f32
      %broadcast_in_dim3A_122 = vector.broadcast %broadcast_in_dim3A_121 : f32 to vector<16xf32>
      %mul3A_123 = arith.constant 16 : i32
      %mul3A_124 = arith.muli %scan3A_120, %mul3A_123 : i32
      %swap3A_125 = arith.index_cast %mul3A_124 : i32 to index
      %swap3A_126 = tpu.vector_load %arg9[%swap3A_125] {strides = array<i32>} : memref<4000xf32, #tpu.memory_space<vmem>>, vector<16xf32>,
      tpu.vector_store %arg9[%swap3A_125], %broadcast_in_dim3A_122 {strides = array<i32>} : memref<4000xf32, #tpu.memory_space<vmem>>, vector<16xf32>,
    }
    %scan3A_27 = arith.constant 250 : i32
    %broadcast_in_dim3A = arith.constant 1.000000e+00 : f32
    %broadcast_in_dim3A_28 = vector.broadcast %broadcast_in_dim3A : f32 to vector<16xf32>
    %swap3A = arith.constant 0 : index
    %swap3A_29 = tpu.vector_load %arg8[%swap3A] {strides = array<i32>} : memref<128xf32, #tpu.memory_space<vmem>>, vector<16xf32>,
    tpu.vector_store %arg8[%swap3A], %broadcast_in_dim3A_28 {strides = array<i32>} : memref<128xf32, #tpu.memory_space<vmem>>, vector<16xf32>,
    %broadcast_in_dim3A_30 = arith.constant 1.000000e+00 : f32
    %broadcast_in_dim3A_31 = vector.broadcast %broadcast_in_dim3A_30 : f32 to vector<16xf32>
    %swap3A_32 = arith.constant 16 : index
    %swap3A_33 = tpu.vector_load %arg8[%swap3A_32] {strides = array<i32>} : memref<128xf32, #tpu.memory_space<vmem>>, vector<16xf32>,
    tpu.vector_store %arg8[%swap3A_32], %broadcast_in_dim3A_31 {strides = array<i32>} : memref<128xf32, #tpu.memory_space<vmem>>, vector<16xf32>,
    %broadcast_in_dim3A_34 = arith.constant 1.000000e+00 : f32
    %broadcast_in_dim3A_35 = vector.broadcast %broadcast_in_dim3A_34 : f32 to vector<16xf32>
    %swap3A_36 = arith.constant 32 : index
    %swap3A_37 = tpu.vector_load %arg8[%swap3A_36] {strides = array<i32>} : memref<128xf32, #tpu.memory_space<vmem>>, vector<16xf32>,
    tpu.vector_store %arg8[%swap3A_36], %broadcast_in_dim3A_35 {strides = array<i32>} : memref<128xf32, #tpu.memory_space<vmem>>, vector<16xf32>,
    %broadcast_in_dim3A_38 = arith.constant 1.000000e+00 : f32
    %broadcast_in_dim3A_39 = vector.broadcast %broadcast_in_dim3A_38 : f32 to vector<16xf32>
    %swap3A_40 = arith.constant 48 : index
    %swap3A_41 = tpu.vector_load %arg8[%swap3A_40] {strides = array<i32>} : memref<128xf32, #tpu.memory_space<vmem>>, vector<16xf32>,
    tpu.vector_store %arg8[%swap3A_40], %broadcast_in_dim3A_39 {strides = array<i32>} : memref<128xf32, #tpu.memory_space<vmem>>, vector<16xf32>,
    %broadcast_in_dim3A_42 = arith.constant 1.000000e+00 : f32
    %broadcast_in_dim3A_43 = vector.broadcast %broadcast_in_dim3A_42 : f32 to vector<16xf32>
    %swap3A_44 = arith.constant 64 : index
    %swap3A_45 = tpu.vector_load %arg8[%swap3A_44] {strides = array<i32>} : memref<128xf32, #tpu.memory_space<vmem>>, vector<16xf32>,
    tpu.vector_store %arg8[%swap3A_44], %broadcast_in_dim3A_43 {strides = array<i32>} : memref<128xf32, #tpu.memory_space<vmem>>, vector<16xf32>,
    %broadcast_in_dim3A_46 = arith.constant 1.000000e+00 : f32
    %broadcast_in_dim3A_47 = vector.broadcast %broadcast_in_dim3A_46 : f32 to vector<16xf32>
    %swap3A_48 = arith.constant 80 : index
    %swap3A_49 = tpu.vector_load %arg8[%swap3A_48] {strides = array<i32>} : memref<128xf32, #tpu.memory_space<vmem>>, vector<16xf32>,
    tpu.vector_store %arg8[%swap3A_48], %broadcast_in_dim3A_47 {strides = array<i32>} : memref<128xf32, #tpu.memory_space<vmem>>, vector<16xf32>,
    %broadcast_in_dim3A_50 = arith.constant 1.000000e+00 : f32
    %broadcast_in_dim3A_51 = vector.broadcast %broadcast_in_dim3A_50 : f32 to vector<16xf32>
    %swap3A_52 = arith.constant 96 : index
    %swap3A_53 = tpu.vector_load %arg8[%swap3A_52] {strides = array<i32>} : memref<128xf32, #tpu.memory_space<vmem>>, vector<16xf32>,
    tpu.vector_store %arg8[%swap3A_52], %broadcast_in_dim3A_51 {strides = array<i32>} : memref<128xf32, #tpu.memory_space<vmem>>, vector<16xf32>,
    %broadcast_in_dim3A_54 = arith.constant 1.000000e+00 : f32
    %broadcast_in_dim3A_55 = vector.broadcast %broadcast_in_dim3A_54 : f32 to vector<16xf32>
    %swap3A_56 = arith.constant 112 : index
    %swap3A_57 = tpu.vector_load %arg8[%swap3A_56] {strides = array<i32>} : memref<128xf32, #tpu.memory_space<vmem>>, vector<16xf32>,
    tpu.vector_store %arg8[%swap3A_56], %broadcast_in_dim3A_55 {strides = array<i32>} : memref<128xf32, #tpu.memory_space<vmem>>, vector<16xf32>,
    %scan3A_58 = arith.constant 0 : i32
    %scan3A_59 = arith.constant 0 : i32
    %scan3A_60 = arith.constant 20 : i32
    %scan3A_61 = arith.addi %scan3A_59, %scan3A_60 : i32
    %scan3A_62 = arith.constant 1 : i32
    scf.for %scan3A_120 = %scan3A_59 to %scan3A_61 step %scan3A_62  : i32 {
      %mul3A_121 = arith.constant 80000 : i32
      %mul3A_122 = arith.muli %arg1, %mul3A_121 : i32
      %mul3A_123 = arith.constant 4000 : i32
      %mul3A_124 = arith.muli %scan3A_120, %mul3A_123 : i32
      %add3A_125 = arith.addi %mul3A_122, %mul3A_124 : i32
      %dma_start3A_126 = tpu.memref_slice %arg10[%add3A_125] : memref<1280000xf32, #tpu.memory_space<vmem_shared>> -> memref<4000xf32, #tpu.memory_space<vmem_shared>>
      %dma_start3A_127 = tpu.memref_slice %arg10[%add3A_125] : memref<1280000xf32, #tpu.memory_space<vmem_shared>> -> memref<4000xf32, #tpu.memory_space<vmem_shared>>
      tpu.enqueue_dma source(%arg9 : memref<4000xf32, #tpu.memory_space<vmem>>) target(%dma_start3A_127 : memref<4000xf32, #tpu.memory_space<vmem_shared>>) target_semaphore(%arg12 : memref<!tpu.dma_semaphore, #tpu.memory_space<semaphore_mem>>)
    }
    %scan3A_63 = arith.constant 20 : i32
    tpu.wait_dma2 semaphore(%arg11 : memref<!tpu.dma_semaphore, #tpu.memory_space<semaphore_mem>>) src(%arg2 : memref<10000xi32, #tpu.memory_space<hbm>>) dst(%arg5 : memref<10000xi32, #tpu.memory_space<vmem>>)
    %mul3A_64 = arith.constant 128 : i32
    %mul3A_65 = arith.muli %add3A_8, %mul3A_64 : i32
    %dma_wait3A = arith.constant 0 : i32
    %dma_wait3A_66 = arith.constant 0 : i32
    %dma_wait3A_67 = tpu.memref_slice %arg6[%dma_wait3A, %dma_wait3A_66] : memref<2x10112xi32, #tpu.memory_space<vmem>> -> memref<2x9984xi32, #tpu.memory_space<vmem>>
    %dma_wait3A_68 = arith.constant 0 : i32
    %dma_wait3A_69 = tpu.memref_slice %arg3[%dma_wait3A_68, %mul3A_65] : memref<2x320000xi32, #tpu.memory_space<hbm>> -> memref<2x9984xi32, #tpu.memory_space<hbm>>
    %dma_wait3A_70 = arith.constant 0 : i32
    %dma_wait3A_71 = arith.constant 0 : i32
    %dma_wait3A_72 = tpu.memref_slice %arg6[%dma_wait3A_70, %dma_wait3A_71] : memref<2x10112xi32, #tpu.memory_space<vmem>> -> memref<2x9984xi32, #tpu.memory_space<vmem>>
    %dma_wait3A_73 = arith.constant 0 : i32
    %dma_wait3A_74 = tpu.memref_slice %arg3[%dma_wait3A_73, %mul3A_65] : memref<2x320000xi32, #tpu.memory_space<hbm>> -> memref<2x9984xi32, #tpu.memory_space<hbm>>
    tpu.wait_dma2 semaphore(%arg11 : memref<!tpu.dma_semaphore, #tpu.memory_space<semaphore_mem>>) src(%dma_wait3A_74 : memref<2x9984xi32, #tpu.memory_space<hbm>>) dst(%dma_wait3A_72 : memref<2x9984xi32, #tpu.memory_space<vmem>>)
    %lt3A_75 = arith.constant 4 : i32
    %lt3A_76 = arith.cmpi slt, %add3A, %lt3A_75 : i32
    %convert_element_type3A_77 = arith.extui %lt3A_76 : i1 to i32
    %cond3A_78 = arith.constant 0 : i32
    %cond3A_79 = arith.cmpi ne, %convert_element_type3A_77, %cond3A_78 : i32
    scf.if %cond3A_79 {
      %add3A_120 = arith.constant 78 : i32
      %add3A_121 = arith.addi %add3A_8, %add3A_120 : i32
      %mul3A_122 = arith.constant 128 : i32
      %mul3A_123 = arith.muli %add3A_121, %mul3A_122 : i32
      %dma_wait3A_124 = arith.constant 0 : i32
      %dma_wait3A_125 = arith.constant 9984 : i32
      %dma_wait3A_126 = tpu.memref_slice %arg6[%dma_wait3A_124, %dma_wait3A_125] : memref<2x10112xi32, #tpu.memory_space<vmem>> -> memref<2x128xi32, #tpu.memory_space<vmem>>
      %dma_wait3A_127 = arith.constant 0 : i32
      %dma_wait3A_128 = tpu.memref_slice %arg3[%dma_wait3A_127, %mul3A_123] : memref<2x320000xi32, #tpu.memory_space<hbm>> -> memref<2x128xi32, #tpu.memory_space<hbm>>
      %dma_wait3A_129 = arith.constant 0 : i32
      %dma_wait3A_130 = arith.constant 9984 : i32
      %dma_wait3A_131 = tpu.memref_slice %arg6[%dma_wait3A_129, %dma_wait3A_130] : memref<2x10112xi32, #tpu.memory_space<vmem>> -> memref<2x128xi32, #tpu.memory_space<vmem>>
      %dma_wait3A_132 = arith.constant 0 : i32
      %dma_wait3A_133 = tpu.memref_slice %arg3[%dma_wait3A_132, %mul3A_123] : memref<2x320000xi32, #tpu.memory_space<hbm>> -> memref<2x128xi32, #tpu.memory_space<hbm>>
      tpu.wait_dma2 semaphore(%arg11 : memref<!tpu.dma_semaphore, #tpu.memory_space<semaphore_mem>>) src(%dma_wait3A_133 : memref<2x128xi32, #tpu.memory_space<hbm>>) dst(%dma_wait3A_131 : memref<2x128xi32, #tpu.memory_space<vmem>>)
    } else {
    }
    %while3A = arith.constant 0 : i32
    %while3A_80 = arith.constant 0 : i32
    %while3A_81 = arith.subi %add3A_4, %while3A_80 : i32
    %while3A_82 = arith.addi %while3A_80, %while3A_81 : i32
    %while3A_83 = arith.constant 1 : i32
    %while3A_84 = arith.divsi %while3A_81, %while3A_83 : i32
    %while3A_85 = arith.muli %while3A_84, %while3A_83 : i32
    %while3A_86 = arith.addi %while3A_80, %while3A_85 : i32
    %while3A_87 = arith.constant 1 : i32
    scf.for %while3A_120 = %while3A_80 to %while3A_86 step %while3A_87  : i32 {
      %mul3A_121 = arith.constant 128 : i32
      %mul3A_122 = arith.muli %while3A_120, %mul3A_121 : i32
      %add3A_123 = arith.constant 0 : i32
      %add3A_124 = arith.addi %mul3A_122, %add3A_123 : i32
      %get3A = arith.constant 0 : i32
      %get3A_125 = arith.index_cast %get3A : i32 to index
      %get3A_126 = arith.index_cast %add3A_124 : i32 to index
      %get3A_127 = tpu.vector_load %arg6[%get3A_125, %get3A_126] {strides = array<i32>} : memref<2x10112xi32, #tpu.memory_space<vmem>>, vector<16xi32>,
      %get3A_128 = arith.constant 1 : i32
      %get3A_129 = arith.index_cast %get3A_128 : i32 to index
      %get3A_130 = arith.index_cast %add3A_124 : i32 to index
      %get3A_131 = tpu.vector_load %arg6[%get3A_129, %get3A_130] {strides = array<i32>} : memref<2x10112xi32, #tpu.memory_space<vmem>>, vector<16xi32>,
      %gather3A = tpu.vector_load_idx %arg5[%get3A_127] : memref<10000xi32, #tpu.memory_space<vmem>>[vector<16xi32>], vector<16xi32>,
      %mul3A_132 = arith.constant 128 : i32
      %mul3A_133 = vector.broadcast %mul3A_132 : i32 to vector<16xi32>
      %mul3A_134 = arith.muli %get3A_131, %mul3A_133 : vector<16xi32>
      %add3A_135 = arith.addi %mul3A_134, %gather3A : vector<16xi32>
      %swap3A_136 = arith.index_cast %while3A_120 : i32 to index
      %swap3A_137 = arith.constant 0 : index
      %swap3A_138 = tpu.vector_load %arg7[%swap3A_136, %swap3A_137] {strides = array<i32>} : memref<79x128xi32, #tpu.memory_space<vmem>>, vector<16xi32>,
      tpu.vector_store %arg7[%swap3A_136, %swap3A_137], %add3A_135 {strides = array<i32>} : memref<79x128xi32, #tpu.memory_space<vmem>>, vector<16xi32>,
      %mul3A_139 = arith.constant 128 : i32
      %mul3A_140 = arith.muli %while3A_120, %mul3A_139 : i32
      %add3A_141 = arith.constant 16 : i32
      %add3A_142 = arith.addi %mul3A_140, %add3A_141 : i32
      %get3A_143 = arith.constant 0 : i32
      %get3A_144 = arith.index_cast %get3A_143 : i32 to index
      %get3A_145 = arith.index_cast %add3A_142 : i32 to index
      %get3A_146 = tpu.vector_load %arg6[%get3A_144, %get3A_145] {strides = array<i32>} : memref<2x10112xi32, #tpu.memory_space<vmem>>, vector<16xi32>,
      %get3A_147 = arith.constant 1 : i32
      %get3A_148 = arith.index_cast %get3A_147 : i32 to index
      %get3A_149 = arith.index_cast %add3A_142 : i32 to index
      %get3A_150 = tpu.vector_load %arg6[%get3A_148, %get3A_149] {strides = array<i32>} : memref<2x10112xi32, #tpu.memory_space<vmem>>, vector<16xi32>,
      %gather3A_151 = tpu.vector_load_idx %arg5[%get3A_146] : memref<10000xi32, #tpu.memory_space<vmem>>[vector<16xi32>], vector<16xi32>,
      %mul3A_152 = arith.constant 128 : i32
      %mul3A_153 = vector.broadcast %mul3A_152 : i32 to vector<16xi32>
      %mul3A_154 = arith.muli %get3A_150, %mul3A_153 : vector<16xi32>
      %add3A_155 = arith.addi %mul3A_154, %gather3A_151 : vector<16xi32>
      %swap3A_156 = arith.index_cast %while3A_120 : i32 to index
      %swap3A_157 = arith.constant 16 : index
      %swap3A_158 = tpu.vector_load %arg7[%swap3A_156, %swap3A_157] {strides = array<i32>} : memref<79x128xi32, #tpu.memory_space<vmem>>, vector<16xi32>,
      tpu.vector_store %arg7[%swap3A_156, %swap3A_157], %add3A_155 {strides = array<i32>} : memref<79x128xi32, #tpu.memory_space<vmem>>, vector<16xi32>,
      %mul3A_159 = arith.constant 128 : i32
      %mul3A_160 = arith.muli %while3A_120, %mul3A_159 : i32
      %add3A_161 = arith.constant 32 : i32
      %add3A_162 = arith.addi %mul3A_160, %add3A_161 : i32
      %get3A_163 = arith.constant 0 : i32
      %get3A_164 = arith.index_cast %get3A_163 : i32 to index
      %get3A_165 = arith.index_cast %add3A_162 : i32 to index
      %get3A_166 = tpu.vector_load %arg6[%get3A_164, %get3A_165] {strides = array<i32>} : memref<2x10112xi32, #tpu.memory_space<vmem>>, vector<16xi32>,
      %get3A_167 = arith.constant 1 : i32
      %get3A_168 = arith.index_cast %get3A_167 : i32 to index
      %get3A_169 = arith.index_cast %add3A_162 : i32 to index
      %get3A_170 = tpu.vector_load %arg6[%get3A_168, %get3A_169] {strides = array<i32>} : memref<2x10112xi32, #tpu.memory_space<vmem>>, vector<16xi32>,
      %gather3A_171 = tpu.vector_load_idx %arg5[%get3A_166] : memref<10000xi32, #tpu.memory_space<vmem>>[vector<16xi32>], vector<16xi32>,
      %mul3A_172 = arith.constant 128 : i32
      %mul3A_173 = vector.broadcast %mul3A_172 : i32 to vector<16xi32>
      %mul3A_174 = arith.muli %get3A_170, %mul3A_173 : vector<16xi32>
      %add3A_175 = arith.addi %mul3A_174, %gather3A_171 : vector<16xi32>
      %swap3A_176 = arith.index_cast %while3A_120 : i32 to index
      %swap3A_177 = arith.constant 32 : index
      %swap3A_178 = tpu.vector_load %arg7[%swap3A_176, %swap3A_177] {strides = array<i32>} : memref<79x128xi32, #tpu.memory_space<vmem>>, vector<16xi32>,
      tpu.vector_store %arg7[%swap3A_176, %swap3A_177], %add3A_175 {strides = array<i32>} : memref<79x128xi32, #tpu.memory_space<vmem>>, vector<16xi32>,
      %mul3A_179 = arith.constant 128 : i32
      %mul3A_180 = arith.muli %while3A_120, %mul3A_179 : i32
      %add3A_181 = arith.constant 48 : i32
      %add3A_182 = arith.addi %mul3A_180, %add3A_181 : i32
      %get3A_183 = arith.constant 0 : i32
      %get3A_184 = arith.index_cast %get3A_183 : i32 to index
      %get3A_185 = arith.index_cast %add3A_182 : i32 to index
      %get3A_186 = tpu.vector_load %arg6[%get3A_184, %get3A_185] {strides = array<i32>} : memref<2x10112xi32, #tpu.memory_space<vmem>>, vector<16xi32>,
      %get3A_187 = arith.constant 1 : i32
      %get3A_188 = arith.index_cast %get3A_187 : i32 to index
      %get3A_189 = arith.index_cast %add3A_182 : i32 to index
      %get3A_190 = tpu.vector_load %arg6[%get3A_188, %get3A_189] {strides = array<i32>} : memref<2x10112xi32, #tpu.memory_space<vmem>>, vector<16xi32>,
      %gather3A_191 = tpu.vector_load_idx %arg5[%get3A_186] : memref<10000xi32, #tpu.memory_space<vmem>>[vector<16xi32>], vector<16xi32>,
      %mul3A_192 = arith.constant 128 : i32
      %mul3A_193 = vector.broadcast %mul3A_192 : i32 to vector<16xi32>
      %mul3A_194 = arith.muli %get3A_190, %mul3A_193 : vector<16xi32>
      %add3A_195 = arith.addi %mul3A_194, %gather3A_191 : vector<16xi32>
      %swap3A_196 = arith.index_cast %while3A_120 : i32 to index
      %swap3A_197 = arith.constant 48 : index
      %swap3A_198 = tpu.vector_load %arg7[%swap3A_196, %swap3A_197] {strides = array<i32>} : memref<79x128xi32, #tpu.memory_space<vmem>>, vector<16xi32>,
      tpu.vector_store %arg7[%swap3A_196, %swap3A_197], %add3A_195 {strides = array<i32>} : memref<79x128xi32, #tpu.memory_space<vmem>>, vector<16xi32>,
      %mul3A_199 = arith.constant 128 : i32
      %mul3A_200 = arith.muli %while3A_120, %mul3A_199 : i32
      %add3A_201 = arith.constant 64 : i32
      %add3A_202 = arith.addi %mul3A_200, %add3A_201 : i32
      %get3A_203 = arith.constant 0 : i32
      %get3A_204 = arith.index_cast %get3A_203 : i32 to index
      %get3A_205 = arith.index_cast %add3A_202 : i32 to index
      %get3A_206 = tpu.vector_load %arg6[%get3A_204, %get3A_205] {strides = array<i32>} : memref<2x10112xi32, #tpu.memory_space<vmem>>, vector<16xi32>,
      %get3A_207 = arith.constant 1 : i32
      %get3A_208 = arith.index_cast %get3A_207 : i32 to index
      %get3A_209 = arith.index_cast %add3A_202 : i32 to index
      %get3A_210 = tpu.vector_load %arg6[%get3A_208, %get3A_209] {strides = array<i32>} : memref<2x10112xi32, #tpu.memory_space<vmem>>, vector<16xi32>,
      %gather3A_211 = tpu.vector_load_idx %arg5[%get3A_206] : memref<10000xi32, #tpu.memory_space<vmem>>[vector<16xi32>], vector<16xi32>,
      %mul3A_212 = arith.constant 128 : i32
      %mul3A_213 = vector.broadcast %mul3A_212 : i32 to vector<16xi32>
      %mul3A_214 = arith.muli %get3A_210, %mul3A_213 : vector<16xi32>
      %add3A_215 = arith.addi %mul3A_214, %gather3A_211 : vector<16xi32>
      %swap3A_216 = arith.index_cast %while3A_120 : i32 to index
      %swap3A_217 = arith.constant 64 : index
      %swap3A_218 = tpu.vector_load %arg7[%swap3A_216, %swap3A_217] {strides = array<i32>} : memref<79x128xi32, #tpu.memory_space<vmem>>, vector<16xi32>,
      tpu.vector_store %arg7[%swap3A_216, %swap3A_217], %add3A_215 {strides = array<i32>} : memref<79x128xi32, #tpu.memory_space<vmem>>, vector<16xi32>,
      %mul3A_219 = arith.constant 128 : i32
      %mul3A_220 = arith.muli %while3A_120, %mul3A_219 : i32
      %add3A_221 = arith.constant 80 : i32
      %add3A_222 = arith.addi %mul3A_220, %add3A_221 : i32
      %get3A_223 = arith.constant 0 : i32
      %get3A_224 = arith.index_cast %get3A_223 : i32 to index
      %get3A_225 = arith.index_cast %add3A_222 : i32 to index
      %get3A_226 = tpu.vector_load %arg6[%get3A_224, %get3A_225] {strides = array<i32>} : memref<2x10112xi32, #tpu.memory_space<vmem>>, vector<16xi32>,
      %get3A_227 = arith.constant 1 : i32
      %get3A_228 = arith.index_cast %get3A_227 : i32 to index
      %get3A_229 = arith.index_cast %add3A_222 : i32 to index
      %get3A_230 = tpu.vector_load %arg6[%get3A_228, %get3A_229] {strides = array<i32>} : memref<2x10112xi32, #tpu.memory_space<vmem>>, vector<16xi32>,
      %gather3A_231 = tpu.vector_load_idx %arg5[%get3A_226] : memref<10000xi32, #tpu.memory_space<vmem>>[vector<16xi32>], vector<16xi32>,
      %mul3A_232 = arith.constant 128 : i32
      %mul3A_233 = vector.broadcast %mul3A_232 : i32 to vector<16xi32>
      %mul3A_234 = arith.muli %get3A_230, %mul3A_233 : vector<16xi32>
      %add3A_235 = arith.addi %mul3A_234, %gather3A_231 : vector<16xi32>
      %swap3A_236 = arith.index_cast %while3A_120 : i32 to index
      %swap3A_237 = arith.constant 80 : index
      %swap3A_238 = tpu.vector_load %arg7[%swap3A_236, %swap3A_237] {strides = array<i32>} : memref<79x128xi32, #tpu.memory_space<vmem>>, vector<16xi32>,
      tpu.vector_store %arg7[%swap3A_236, %swap3A_237], %add3A_235 {strides = array<i32>} : memref<79x128xi32, #tpu.memory_space<vmem>>, vector<16xi32>,
      %mul3A_239 = arith.constant 128 : i32
      %mul3A_240 = arith.muli %while3A_120, %mul3A_239 : i32
      %add3A_241 = arith.constant 96 : i32
      %add3A_242 = arith.addi %mul3A_240, %add3A_241 : i32
      %get3A_243 = arith.constant 0 : i32
      %get3A_244 = arith.index_cast %get3A_243 : i32 to index
      %get3A_245 = arith.index_cast %add3A_242 : i32 to index
      %get3A_246 = tpu.vector_load %arg6[%get3A_244, %get3A_245] {strides = array<i32>} : memref<2x10112xi32, #tpu.memory_space<vmem>>, vector<16xi32>,
      %get3A_247 = arith.constant 1 : i32
      %get3A_248 = arith.index_cast %get3A_247 : i32 to index
      %get3A_249 = arith.index_cast %add3A_242 : i32 to index
      %get3A_250 = tpu.vector_load %arg6[%get3A_248, %get3A_249] {strides = array<i32>} : memref<2x10112xi32, #tpu.memory_space<vmem>>, vector<16xi32>,
      %gather3A_251 = tpu.vector_load_idx %arg5[%get3A_246] : memref<10000xi32, #tpu.memory_space<vmem>>[vector<16xi32>], vector<16xi32>,
      %mul3A_252 = arith.constant 128 : i32
      %mul3A_253 = vector.broadcast %mul3A_252 : i32 to vector<16xi32>
      %mul3A_254 = arith.muli %get3A_250, %mul3A_253 : vector<16xi32>
      %add3A_255 = arith.addi %mul3A_254, %gather3A_251 : vector<16xi32>
      %swap3A_256 = arith.index_cast %while3A_120 : i32 to index
      %swap3A_257 = arith.constant 96 : index
      %swap3A_258 = tpu.vector_load %arg7[%swap3A_256, %swap3A_257] {strides = array<i32>} : memref<79x128xi32, #tpu.memory_space<vmem>>, vector<16xi32>,
      tpu.vector_store %arg7[%swap3A_256, %swap3A_257], %add3A_255 {strides = array<i32>} : memref<79x128xi32, #tpu.memory_space<vmem>>, vector<16xi32>,
      %mul3A_259 = arith.constant 128 : i32
      %mul3A_260 = arith.muli %while3A_120, %mul3A_259 : i32
      %add3A_261 = arith.constant 112 : i32
      %add3A_262 = arith.addi %mul3A_260, %add3A_261 : i32
      %get3A_263 = arith.constant 0 : i32
      %get3A_264 = arith.index_cast %get3A_263 : i32 to index
      %get3A_265 = arith.index_cast %add3A_262 : i32 to index
      %get3A_266 = tpu.vector_load %arg6[%get3A_264, %get3A_265] {strides = array<i32>} : memref<2x10112xi32, #tpu.memory_space<vmem>>, vector<16xi32>,
      %get3A_267 = arith.constant 1 : i32
      %get3A_268 = arith.index_cast %get3A_267 : i32 to index
      %get3A_269 = arith.index_cast %add3A_262 : i32 to index
      %get3A_270 = tpu.vector_load %arg6[%get3A_268, %get3A_269] {strides = array<i32>} : memref<2x10112xi32, #tpu.memory_space<vmem>>, vector<16xi32>,
      %gather3A_271 = tpu.vector_load_idx %arg5[%get3A_266] : memref<10000xi32, #tpu.memory_space<vmem>>[vector<16xi32>], vector<16xi32>,
      %mul3A_272 = arith.constant 128 : i32
      %mul3A_273 = vector.broadcast %mul3A_272 : i32 to vector<16xi32>
      %mul3A_274 = arith.muli %get3A_270, %mul3A_273 : vector<16xi32>
      %add3A_275 = arith.addi %mul3A_274, %gather3A_271 : vector<16xi32>
      %swap3A_276 = arith.index_cast %while3A_120 : i32 to index
      %swap3A_277 = arith.constant 112 : index
      %swap3A_278 = tpu.vector_load %arg7[%swap3A_276, %swap3A_277] {strides = array<i32>} : memref<79x128xi32, #tpu.memory_space<vmem>>, vector<16xi32>,
      tpu.vector_store %arg7[%swap3A_276, %swap3A_277], %add3A_275 {strides = array<i32>} : memref<79x128xi32, #tpu.memory_space<vmem>>, vector<16xi32>,
    }
    %while3A_88 = arith.constant 1 : i32
    scf.for %while3A_120 = %while3A_86 to %while3A_82 step %while3A_88  : i32 {
      %mul3A_121 = arith.constant 128 : i32
      %mul3A_122 = arith.muli %while3A_120, %mul3A_121 : i32
      %add3A_123 = arith.constant 0 : i32
      %add3A_124 = arith.addi %mul3A_122, %add3A_123 : i32
      %get3A = arith.constant 0 : i32
      %get3A_125 = arith.index_cast %get3A : i32 to index
      %get3A_126 = arith.index_cast %add3A_124 : i32 to index
      %get3A_127 = tpu.vector_load %arg6[%get3A_125, %get3A_126] {strides = array<i32>} : memref<2x10112xi32, #tpu.memory_space<vmem>>, vector<16xi32>,
      %get3A_128 = arith.constant 1 : i32
      %get3A_129 = arith.index_cast %get3A_128 : i32 to index
      %get3A_130 = arith.index_cast %add3A_124 : i32 to index
      %get3A_131 = tpu.vector_load %arg6[%get3A_129, %get3A_130] {strides = array<i32>} : memref<2x10112xi32, #tpu.memory_space<vmem>>, vector<16xi32>,
      %gather3A = tpu.vector_load_idx %arg5[%get3A_127] : memref<10000xi32, #tpu.memory_space<vmem>>[vector<16xi32>], vector<16xi32>,
      %mul3A_132 = arith.constant 128 : i32
      %mul3A_133 = vector.broadcast %mul3A_132 : i32 to vector<16xi32>
      %mul3A_134 = arith.muli %get3A_131, %mul3A_133 : vector<16xi32>
      %add3A_135 = arith.addi %mul3A_134, %gather3A : vector<16xi32>
      %swap3A_136 = arith.index_cast %while3A_120 : i32 to index
      %swap3A_137 = arith.constant 0 : index
      %swap3A_138 = tpu.vector_load %arg7[%swap3A_136, %swap3A_137] {strides = array<i32>} : memref<79x128xi32, #tpu.memory_space<vmem>>, vector<16xi32>,
      tpu.vector_store %arg7[%swap3A_136, %swap3A_137], %add3A_135 {strides = array<i32>} : memref<79x128xi32, #tpu.memory_space<vmem>>, vector<16xi32>,
      %mul3A_139 = arith.constant 128 : i32
      %mul3A_140 = arith.muli %while3A_120, %mul3A_139 : i32
      %add3A_141 = arith.constant 16 : i32
      %add3A_142 = arith.addi %mul3A_140, %add3A_141 : i32
      %get3A_143 = arith.constant 0 : i32
      %get3A_144 = arith.index_cast %get3A_143 : i32 to index
      %get3A_145 = arith.index_cast %add3A_142 : i32 to index
      %get3A_146 = tpu.vector_load %arg6[%get3A_144, %get3A_145] {strides = array<i32>} : memref<2x10112xi32, #tpu.memory_space<vmem>>, vector<16xi32>,
      %get3A_147 = arith.constant 1 : i32
      %get3A_148 = arith.index_cast %get3A_147 : i32 to index
      %get3A_149 = arith.index_cast %add3A_142 : i32 to index
      %get3A_150 = tpu.vector_load %arg6[%get3A_148, %get3A_149] {strides = array<i32>} : memref<2x10112xi32, #tpu.memory_space<vmem>>, vector<16xi32>,
      %gather3A_151 = tpu.vector_load_idx %arg5[%get3A_146] : memref<10000xi32, #tpu.memory_space<vmem>>[vector<16xi32>], vector<16xi32>,
      %mul3A_152 = arith.constant 128 : i32
      %mul3A_153 = vector.broadcast %mul3A_152 : i32 to vector<16xi32>
      %mul3A_154 = arith.muli %get3A_150, %mul3A_153 : vector<16xi32>
      %add3A_155 = arith.addi %mul3A_154, %gather3A_151 : vector<16xi32>
      %swap3A_156 = arith.index_cast %while3A_120 : i32 to index
      %swap3A_157 = arith.constant 16 : index
      %swap3A_158 = tpu.vector_load %arg7[%swap3A_156, %swap3A_157] {strides = array<i32>} : memref<79x128xi32, #tpu.memory_space<vmem>>, vector<16xi32>,
      tpu.vector_store %arg7[%swap3A_156, %swap3A_157], %add3A_155 {strides = array<i32>} : memref<79x128xi32, #tpu.memory_space<vmem>>, vector<16xi32>,
      %mul3A_159 = arith.constant 128 : i32
      %mul3A_160 = arith.muli %while3A_120, %mul3A_159 : i32
      %add3A_161 = arith.constant 32 : i32
      %add3A_162 = arith.addi %mul3A_160, %add3A_161 : i32
      %get3A_163 = arith.constant 0 : i32
      %get3A_164 = arith.index_cast %get3A_163 : i32 to index
      %get3A_165 = arith.index_cast %add3A_162 : i32 to index
      %get3A_166 = tpu.vector_load %arg6[%get3A_164, %get3A_165] {strides = array<i32>} : memref<2x10112xi32, #tpu.memory_space<vmem>>, vector<16xi32>,
      %get3A_167 = arith.constant 1 : i32
      %get3A_168 = arith.index_cast %get3A_167 : i32 to index
      %get3A_169 = arith.index_cast %add3A_162 : i32 to index
      %get3A_170 = tpu.vector_load %arg6[%get3A_168, %get3A_169] {strides = array<i32>} : memref<2x10112xi32, #tpu.memory_space<vmem>>, vector<16xi32>,
      %gather3A_171 = tpu.vector_load_idx %arg5[%get3A_166] : memref<10000xi32, #tpu.memory_space<vmem>>[vector<16xi32>], vector<16xi32>,
      %mul3A_172 = arith.constant 128 : i32
      %mul3A_173 = vector.broadcast %mul3A_172 : i32 to vector<16xi32>
      %mul3A_174 = arith.muli %get3A_170, %mul3A_173 : vector<16xi32>
      %add3A_175 = arith.addi %mul3A_174, %gather3A_171 : vector<16xi32>
      %swap3A_176 = arith.index_cast %while3A_120 : i32 to index
      %swap3A_177 = arith.constant 32 : index
      %swap3A_178 = tpu.vector_load %arg7[%swap3A_176, %swap3A_177] {strides = array<i32>} : memref<79x128xi32, #tpu.memory_space<vmem>>, vector<16xi32>,
      tpu.vector_store %arg7[%swap3A_176, %swap3A_177], %add3A_175 {strides = array<i32>} : memref<79x128xi32, #tpu.memory_space<vmem>>, vector<16xi32>,
      %mul3A_179 = arith.constant 128 : i32
      %mul3A_180 = arith.muli %while3A_120, %mul3A_179 : i32
      %add3A_181 = arith.constant 48 : i32
      %add3A_182 = arith.addi %mul3A_180, %add3A_181 : i32
      %get3A_183 = arith.constant 0 : i32
      %get3A_184 = arith.index_cast %get3A_183 : i32 to index
      %get3A_185 = arith.index_cast %add3A_182 : i32 to index
      %get3A_186 = tpu.vector_load %arg6[%get3A_184, %get3A_185] {strides = array<i32>} : memref<2x10112xi32, #tpu.memory_space<vmem>>, vector<16xi32>,
      %get3A_187 = arith.constant 1 : i32
      %get3A_188 = arith.index_cast %get3A_187 : i32 to index
      %get3A_189 = arith.index_cast %add3A_182 : i32 to index
      %get3A_190 = tpu.vector_load %arg6[%get3A_188, %get3A_189] {strides = array<i32>} : memref<2x10112xi32, #tpu.memory_space<vmem>>, vector<16xi32>,
      %gather3A_191 = tpu.vector_load_idx %arg5[%get3A_186] : memref<10000xi32, #tpu.memory_space<vmem>>[vector<16xi32>], vector<16xi32>,
      %mul3A_192 = arith.constant 128 : i32
      %mul3A_193 = vector.broadcast %mul3A_192 : i32 to vector<16xi32>
      %mul3A_194 = arith.muli %get3A_190, %mul3A_193 : vector<16xi32>
      %add3A_195 = arith.addi %mul3A_194, %gather3A_191 : vector<16xi32>
      %swap3A_196 = arith.index_cast %while3A_120 : i32 to index
      %swap3A_197 = arith.constant 48 : index
      %swap3A_198 = tpu.vector_load %arg7[%swap3A_196, %swap3A_197] {strides = array<i32>} : memref<79x128xi32, #tpu.memory_space<vmem>>, vector<16xi32>,
      tpu.vector_store %arg7[%swap3A_196, %swap3A_197], %add3A_195 {strides = array<i32>} : memref<79x128xi32, #tpu.memory_space<vmem>>, vector<16xi32>,
      %mul3A_199 = arith.constant 128 : i32
      %mul3A_200 = arith.muli %while3A_120, %mul3A_199 : i32
      %add3A_201 = arith.constant 64 : i32
      %add3A_202 = arith.addi %mul3A_200, %add3A_201 : i32
      %get3A_203 = arith.constant 0 : i32
      %get3A_204 = arith.index_cast %get3A_203 : i32 to index
      %get3A_205 = arith.index_cast %add3A_202 : i32 to index
      %get3A_206 = tpu.vector_load %arg6[%get3A_204, %get3A_205] {strides = array<i32>} : memref<2x10112xi32, #tpu.memory_space<vmem>>, vector<16xi32>,
      %get3A_207 = arith.constant 1 : i32
      %get3A_208 = arith.index_cast %get3A_207 : i32 to index
      %get3A_209 = arith.index_cast %add3A_202 : i32 to index
      %get3A_210 = tpu.vector_load %arg6[%get3A_208, %get3A_209] {strides = array<i32>} : memref<2x10112xi32, #tpu.memory_space<vmem>>, vector<16xi32>,
      %gather3A_211 = tpu.vector_load_idx %arg5[%get3A_206] : memref<10000xi32, #tpu.memory_space<vmem>>[vector<16xi32>], vector<16xi32>,
      %mul3A_212 = arith.constant 128 : i32
      %mul3A_213 = vector.broadcast %mul3A_212 : i32 to vector<16xi32>
      %mul3A_214 = arith.muli %get3A_210, %mul3A_213 : vector<16xi32>
      %add3A_215 = arith.addi %mul3A_214, %gather3A_211 : vector<16xi32>
      %swap3A_216 = arith.index_cast %while3A_120 : i32 to index
      %swap3A_217 = arith.constant 64 : index
      %swap3A_218 = tpu.vector_load %arg7[%swap3A_216, %swap3A_217] {strides = array<i32>} : memref<79x128xi32, #tpu.memory_space<vmem>>, vector<16xi32>,
      tpu.vector_store %arg7[%swap3A_216, %swap3A_217], %add3A_215 {strides = array<i32>} : memref<79x128xi32, #tpu.memory_space<vmem>>, vector<16xi32>,
      %mul3A_219 = arith.constant 128 : i32
      %mul3A_220 = arith.muli %while3A_120, %mul3A_219 : i32
      %add3A_221 = arith.constant 80 : i32
      %add3A_222 = arith.addi %mul3A_220, %add3A_221 : i32
      %get3A_223 = arith.constant 0 : i32
      %get3A_224 = arith.index_cast %get3A_223 : i32 to index
      %get3A_225 = arith.index_cast %add3A_222 : i32 to index
      %get3A_226 = tpu.vector_load %arg6[%get3A_224, %get3A_225] {strides = array<i32>} : memref<2x10112xi32, #tpu.memory_space<vmem>>, vector<16xi32>,
      %get3A_227 = arith.constant 1 : i32
      %get3A_228 = arith.index_cast %get3A_227 : i32 to index
      %get3A_229 = arith.index_cast %add3A_222 : i32 to index
      %get3A_230 = tpu.vector_load %arg6[%get3A_228, %get3A_229] {strides = array<i32>} : memref<2x10112xi32, #tpu.memory_space<vmem>>, vector<16xi32>,
      %gather3A_231 = tpu.vector_load_idx %arg5[%get3A_226] : memref<10000xi32, #tpu.memory_space<vmem>>[vector<16xi32>], vector<16xi32>,
      %mul3A_232 = arith.constant 128 : i32
      %mul3A_233 = vector.broadcast %mul3A_232 : i32 to vector<16xi32>
      %mul3A_234 = arith.muli %get3A_230, %mul3A_233 : vector<16xi32>
      %add3A_235 = arith.addi %mul3A_234, %gather3A_231 : vector<16xi32>
      %swap3A_236 = arith.index_cast %while3A_120 : i32 to index
      %swap3A_237 = arith.constant 80 : index
      %swap3A_238 = tpu.vector_load %arg7[%swap3A_236, %swap3A_237] {strides = array<i32>} : memref<79x128xi32, #tpu.memory_space<vmem>>, vector<16xi32>,
      tpu.vector_store %arg7[%swap3A_236, %swap3A_237], %add3A_235 {strides = array<i32>} : memref<79x128xi32, #tpu.memory_space<vmem>>, vector<16xi32>,
      %mul3A_239 = arith.constant 128 : i32
      %mul3A_240 = arith.muli %while3A_120, %mul3A_239 : i32
      %add3A_241 = arith.constant 96 : i32
      %add3A_242 = arith.addi %mul3A_240, %add3A_241 : i32
      %get3A_243 = arith.constant 0 : i32
      %get3A_244 = arith.index_cast %get3A_243 : i32 to index
      %get3A_245 = arith.index_cast %add3A_242 : i32 to index
      %get3A_246 = tpu.vector_load %arg6[%get3A_244, %get3A_245] {strides = array<i32>} : memref<2x10112xi32, #tpu.memory_space<vmem>>, vector<16xi32>,
      %get3A_247 = arith.constant 1 : i32
      %get3A_248 = arith.index_cast %get3A_247 : i32 to index
      %get3A_249 = arith.index_cast %add3A_242 : i32 to index
      %get3A_250 = tpu.vector_load %arg6[%get3A_248, %get3A_249] {strides = array<i32>} : memref<2x10112xi32, #tpu.memory_space<vmem>>, vector<16xi32>,
      %gather3A_251 = tpu.vector_load_idx %arg5[%get3A_246] : memref<10000xi32, #tpu.memory_space<vmem>>[vector<16xi32>], vector<16xi32>,
      %mul3A_252 = arith.constant 128 : i32
      %mul3A_253 = vector.broadcast %mul3A_252 : i32 to vector<16xi32>
      %mul3A_254 = arith.muli %get3A_250, %mul3A_253 : vector<16xi32>
      %add3A_255 = arith.addi %mul3A_254, %gather3A_251 : vector<16xi32>
      %swap3A_256 = arith.index_cast %while3A_120 : i32 to index
      %swap3A_257 = arith.constant 96 : index
      %swap3A_258 = tpu.vector_load %arg7[%swap3A_256, %swap3A_257] {strides = array<i32>} : memref<79x128xi32, #tpu.memory_space<vmem>>, vector<16xi32>,
      tpu.vector_store %arg7[%swap3A_256, %swap3A_257], %add3A_255 {strides = array<i32>} : memref<79x128xi32, #tpu.memory_space<vmem>>, vector<16xi32>,
      %mul3A_259 = arith.constant 128 : i32
      %mul3A_260 = arith.muli %while3A_120, %mul3A_259 : i32
      %add3A_261 = arith.constant 112 : i32
      %add3A_262 = arith.addi %mul3A_260, %add3A_261 : i32
      %get3A_263 = arith.constant 0 : i32
      %get3A_264 = arith.index_cast %get3A_263 : i32 to index
      %get3A_265 = arith.index_cast %add3A_262 : i32 to index
      %get3A_266 = tpu.vector_load %arg6[%get3A_264, %get3A_265] {strides = array<i32>} : memref<2x10112xi32, #tpu.memory_space<vmem>>, vector<16xi32>,
      %get3A_267 = arith.constant 1 : i32
      %get3A_268 = arith.index_cast %get3A_267 : i32 to index
      %get3A_269 = arith.index_cast %add3A_262 : i32 to index
      %get3A_270 = tpu.vector_load %arg6[%get3A_268, %get3A_269] {strides = array<i32>} : memref<2x10112xi32, #tpu.memory_space<vmem>>, vector<16xi32>,
      %gather3A_271 = tpu.vector_load_idx %arg5[%get3A_266] : memref<10000xi32, #tpu.memory_space<vmem>>[vector<16xi32>], vector<16xi32>,
      %mul3A_272 = arith.constant 128 : i32
      %mul3A_273 = vector.broadcast %mul3A_272 : i32 to vector<16xi32>
      %mul3A_274 = arith.muli %get3A_270, %mul3A_273 : vector<16xi32>
      %add3A_275 = arith.addi %mul3A_274, %gather3A_271 : vector<16xi32>
      %swap3A_276 = arith.index_cast %while3A_120 : i32 to index
      %swap3A_277 = arith.constant 112 : index
      %swap3A_278 = tpu.vector_load %arg7[%swap3A_276, %swap3A_277] {strides = array<i32>} : memref<79x128xi32, #tpu.memory_space<vmem>>, vector<16xi32>,
      tpu.vector_store %arg7[%swap3A_276, %swap3A_277], %add3A_275 {strides = array<i32>} : memref<79x128xi32, #tpu.memory_space<vmem>>, vector<16xi32>,
    }
    %scan3A_89 = arith.constant 0 : i32
    %scan3A_90 = arith.constant 0 : i32
    %scan3A_91 = arith.constant 20 : i32
    %scan3A_92 = arith.addi %scan3A_90, %scan3A_91 : i32
    %scan3A_93 = arith.constant 1 : i32
    scf.for %scan3A_120 = %scan3A_90 to %scan3A_92 step %scan3A_93  : i32 {
      %mul3A_121 = arith.constant 80000 : i32
      %mul3A_122 = arith.muli %arg1, %mul3A_121 : i32
      %mul3A_123 = arith.constant 4000 : i32
      %mul3A_124 = arith.muli %scan3A_120, %mul3A_123 : i32
      %add3A_125 = arith.addi %mul3A_122, %mul3A_124 : i32
      %dma_wait3A_126 = tpu.memref_slice %arg10[%add3A_125] : memref<1280000xf32, #tpu.memory_space<vmem_shared>> -> memref<4000xf32, #tpu.memory_space<vmem_shared>>
      %dma_wait3A_127 = tpu.memref_slice %arg10[%add3A_125] : memref<1280000xf32, #tpu.memory_space<vmem_shared>> -> memref<4000xf32, #tpu.memory_space<vmem_shared>>
      tpu.wait_dma2 semaphore(%arg12 : memref<!tpu.dma_semaphore, #tpu.memory_space<semaphore_mem>>) src(%arg9 : memref<4000xf32, #tpu.memory_space<vmem>>) dst(%dma_wait3A_127 : memref<4000xf32, #tpu.memory_space<vmem_shared>>)
    }
    %scan3A_94 = arith.constant 20 : i32
    %barrier3A = arith.constant 0 : index
    tpu.barrier barrier_id(%barrier3A)
    %while3A_95 = arith.constant 0 : i32
    %while3A_96 = arith.constant 0 : i32
    %while3A_97 = arith.subi %add3A_4, %while3A_96 : i32
    %while3A_98 = arith.addi %while3A_96, %while3A_97 : i32
    %while3A_99 = arith.constant 1 : i32
    %while3A_100 = arith.divsi %while3A_97, %while3A_99 : i32
    %while3A_101 = arith.muli %while3A_100, %while3A_99 : i32
    %while3A_102 = arith.addi %while3A_96, %while3A_101 : i32
    %while3A_103 = arith.constant 1 : i32
    scf.for %while3A_120 = %while3A_96 to %while3A_102 step %while3A_103  : i32 {
      %dma_start3A_121 = arith.constant 0 : i32
      %dma_start3A_122 = tpu.memref_slice %arg7[%while3A_120, %dma_start3A_121] : memref<79x128xi32, #tpu.memory_space<vmem>> -> memref<1x128xi32, #tpu.memory_space<vmem>>
      %dma_start3A_123 = tpu.memref_squeeze %dma_start3A_122 : memref<1x128xi32, #tpu.memory_space<vmem>> -> memref<128xi32, #tpu.memory_space<vmem>>
      %dma_start3A_124 = arith.constant 0 : i32
      %dma_start3A_125 = tpu.memref_slice %arg10[%dma_start3A_124] : memref<1280000xf32, #tpu.memory_space<vmem_shared>> -> memref<1280000xf32, #tpu.memory_space<vmem_shared>>
      tpu.enqueue_indirect_dma source(%arg8 : memref<128xf32, #tpu.memory_space<vmem>>) target(%dma_start3A_125 : memref<1280000xf32, #tpu.memory_space<vmem_shared>>) offsets(%dma_start3A_123 : memref<128xi32, #tpu.memory_space<vmem>>) semaphore(%arg13 : memref<!tpu.dma_semaphore, #tpu.memory_space<semaphore_mem>>) {add = true}
    }
    %while3A_104 = arith.constant 1 : i32
    scf.for %while3A_120 = %while3A_102 to %while3A_98 step %while3A_104  : i32 {
      %dma_start3A_121 = arith.constant 0 : i32
      %dma_start3A_122 = tpu.memref_slice %arg7[%while3A_120, %dma_start3A_121] : memref<79x128xi32, #tpu.memory_space<vmem>> -> memref<1x128xi32, #tpu.memory_space<vmem>>
      %dma_start3A_123 = tpu.memref_squeeze %dma_start3A_122 : memref<1x128xi32, #tpu.memory_space<vmem>> -> memref<128xi32, #tpu.memory_space<vmem>>
      %dma_start3A_124 = arith.constant 0 : i32
      %dma_start3A_125 = tpu.memref_slice %arg10[%dma_start3A_124] : memref<1280000xf32, #tpu.memory_space<vmem_shared>> -> memref<1280000xf32, #tpu.memory_space<vmem_shared>>
      tpu.enqueue_indirect_dma source(%arg8 : memref<128xf32, #tpu.memory_space<vmem>>) target(%dma_start3A_125 : memref<1280000xf32, #tpu.memory_space<vmem_shared>>) offsets(%dma_start3A_123 : memref<128xi32, #tpu.memory_space<vmem>>) semaphore(%arg13 : memref<!tpu.dma_semaphore, #tpu.memory_space<semaphore_mem>>) {add = true}
    }
    %while3A_105 = arith.constant 0 : i32
    %while3A_106 = arith.constant 0 : i32
    %while3A_107 = arith.subi %add3A_4, %while3A_106 : i32
    %while3A_108 = arith.addi %while3A_106, %while3A_107 : i32
    %while3A_109 = arith.constant 1 : i32
    %while3A_110 = arith.divsi %while3A_107, %while3A_109 : i32
    %while3A_111 = arith.muli %while3A_110, %while3A_109 : i32
    %while3A_112 = arith.addi %while3A_106, %while3A_111 : i32
    %while3A_113 = arith.constant 1 : i32
    scf.for %while3A_120 = %while3A_106 to %while3A_112 step %while3A_113  : i32 {
      %dma_wait3A_121 = arith.constant 0 : i32
      %dma_wait3A_122 = tpu.memref_slice %arg7[%while3A_120, %dma_wait3A_121] : memref<79x128xi32, #tpu.memory_space<vmem>> -> memref<1x128xi32, #tpu.memory_space<vmem>>
      %dma_wait3A_123 = tpu.memref_squeeze %dma_wait3A_122 : memref<1x128xi32, #tpu.memory_space<vmem>> -> memref<128xi32, #tpu.memory_space<vmem>>
      %dma_wait3A_124 = arith.constant 0 : i32
      %dma_wait3A_125 = tpu.memref_slice %arg10[%dma_wait3A_124] : memref<1280000xf32, #tpu.memory_space<vmem_shared>> -> memref<1280000xf32, #tpu.memory_space<vmem_shared>>
      tpu.wait_indirect_dma semaphore(%arg13 : memref<!tpu.dma_semaphore, #tpu.memory_space<semaphore_mem>>) src(%arg8 : memref<128xf32, #tpu.memory_space<vmem>>) dst(%dma_wait3A_125 : memref<1280000xf32, #tpu.memory_space<vmem_shared>>)
    }
    %while3A_114 = arith.constant 1 : i32
    scf.for %while3A_120 = %while3A_112 to %while3A_108 step %while3A_114  : i32 {
      %dma_wait3A_121 = arith.constant 0 : i32
      %dma_wait3A_122 = tpu.memref_slice %arg7[%while3A_120, %dma_wait3A_121] : memref<79x128xi32, #tpu.memory_space<vmem>> -> memref<1x128xi32, #tpu.memory_space<vmem>>
      %dma_wait3A_123 = tpu.memref_squeeze %dma_wait3A_122 : memref<1x128xi32, #tpu.memory_space<vmem>> -> memref<128xi32, #tpu.memory_space<vmem>>
      %dma_wait3A_124 = arith.constant 0 : i32
      %dma_wait3A_125 = tpu.memref_slice %arg10[%dma_wait3A_124] : memref<1280000xf32, #tpu.memory_space<vmem_shared>> -> memref<1280000xf32, #tpu.memory_space<vmem_shared>>
      tpu.wait_indirect_dma semaphore(%arg13 : memref<!tpu.dma_semaphore, #tpu.memory_space<semaphore_mem>>) src(%arg8 : memref<128xf32, #tpu.memory_space<vmem>>) dst(%dma_wait3A_125 : memref<1280000xf32, #tpu.memory_space<vmem_shared>>)
    }
    %barrier3A_115 = arith.constant 0 : index
    tpu.barrier barrier_id(%barrier3A_115)
    %mul3A_116 = arith.constant 80000 : i32
    %mul3A_117 = arith.muli %arg1, %mul3A_116 : i32
    %mul3A_118 = arith.constant 80000 : i32
    %mul3A_119 = arith.muli %arg1, %mul3A_118 : i32
    "tpu.region"() ({
      %run_scoped3A = tpu.sem_alloc : memref<!tpu.dma_semaphore, #tpu.memory_space<semaphore_mem>>
      %dma_start3A_120 = tpu.memref_slice %arg4[%arg0, %mul3A_119] : memref<2x1280000xf32, #tpu.memory_space<hbm>> -> memref<1x80000xf32, #tpu.memory_space<hbm>>
      %dma_start3A_121 = tpu.memref_squeeze %dma_start3A_120 : memref<1x80000xf32, #tpu.memory_space<hbm>> -> memref<80000xf32, #tpu.memory_space<hbm>>
      %dma_start3A_122 = tpu.memref_slice %arg10[%mul3A_117] : memref<1280000xf32, #tpu.memory_space<vmem_shared>> -> memref<80000xf32, #tpu.memory_space<vmem_shared>>
      tpu.enqueue_dma source(%dma_start3A_122 : memref<80000xf32, #tpu.memory_space<vmem_shared>>) target(%dma_start3A_121 : memref<80000xf32, #tpu.memory_space<hbm>>) target_semaphore(%run_scoped3A : memref<!tpu.dma_semaphore, #tpu.memory_space<semaphore_mem>>)
      %dma_wait3A_123 = tpu.memref_slice %arg4[%arg0, %mul3A_119] : memref<2x1280000xf32, #tpu.memory_space<hbm>> -> memref<1x80000xf32, #tpu.memory_space<hbm>>
      %dma_wait3A_124 = tpu.memref_squeeze %dma_wait3A_123 : memref<1x80000xf32, #tpu.memory_space<hbm>> -> memref<80000xf32, #tpu.memory_space<hbm>>
      %dma_wait3A_125 = tpu.memref_slice %arg10[%mul3A_117] : memref<1280000xf32, #tpu.memory_space<vmem_shared>> -> memref<80000xf32, #tpu.memory_space<vmem_shared>>
      tpu.wait_dma2 semaphore(%run_scoped3A : memref<!tpu.dma_semaphore, #tpu.memory_space<semaphore_mem>>) src(%dma_wait3A_125 : memref<80000xf32, #tpu.memory_space<vmem_shared>>) dst(%dma_wait3A_124 : memref<80000xf32, #tpu.memory_space<hbm>>)
      tpu.yield
    }) : () -> ()
    return
  }
}

module attributes {stable_mosaic.version = 14 : i64} {
  func.func @_tc_feat_body(%arg0: i32, %arg1: memref<1x1x2000xi32, #tpu.memory_space<vmem>>, %arg2: memref<128x128xf32, #tpu.memory_space<vmem>>, %arg3: memref<2000x128xf32, #tpu.memory_space<vmem>>) attributes {dimension_semantics = [#tpu.dimension_semantics<arbitrary>], iteration_bounds = array<i64: 5>, scalar_prefetch = 0 : i64, scratch_operands = 0 : i64, tpu.core_type = #tpu.core_type<tc>, window_params = [{transform_indices = @transform_0, window_bounds = array<i64: 1, 1, 2000>}, {pipeline_mode = #tpu.pipeline_mode<synchronous>, transform_indices = @transform_1, window_bounds = array<i64: 128, 128>}, {transform_indices = @transform_2, window_bounds = array<i64: 2000, 128>}]} {
    %get3A = arith.constant 0 : index
    %get3A_0 = arith.constant 0 : index
    %get3A_1 = arith.constant 0 : index
    %get3A_2 = vector.load %arg1[%get3A, %get3A_0, %get3A_1] : memref<1x1x2000xi32, #tpu.memory_space<vmem>>, vector<1x1x2000xi32>
    %get3A_3 = vector.shape_cast %get3A_2 : vector<1x1x2000xi32> to vector<2000xi32>
    %iota3A = tpu.iota {dimensions = array<i32: 1>} : vector<2000x128xi32>
    %broadcast_in_dim3A = vector.shape_cast %get3A_3 : vector<2000xi32> to vector<2000x1xi32>
    %eq3A = vector.broadcast %broadcast_in_dim3A : vector<2000x1xi32> to vector<2000x128xi32>
    %eq3A_4 = arith.cmpi eq, %eq3A, %iota3A : vector<2000x128xi32>
    %convert_element_type3A = arith.extui %eq3A_4 : vector<2000x128xi1> to vector<2000x128xi32>
    %convert_element_type3A_5 = arith.sitofp %convert_element_type3A : vector<2000x128xi32> to vector<2000x128xf32>
    %get3A_6 = arith.constant 0 : index
    %get3A_7 = arith.constant 0 : index
    %get3A_8 = vector.load %arg2[%get3A_6, %get3A_7] : memref<128x128xf32, #tpu.memory_space<vmem>>, vector<128x128xf32>
    %dot_general3A = arith.constant dense<0.000000e+00> : vector<2000x128xf32>
    %dot_general3A_9 = tpu.matmul %convert_element_type3A_5, %get3A_8, %dot_general3A {dimension_numbers = #tpu.dot_dimension_numbers<[1], [0], [0], [1], [0, 0, 1, 1], [], []>, transpose_lhs_hint = false} : vector<2000x128xf32>, vector<128x128xf32>, vector<2000x128xf32> -> vector<2000x128xf32>
    %swap3A = arith.constant 0 : index
    %swap3A_10 = arith.constant 0 : index
    %swap3A_11 = vector.load %arg3[%swap3A, %swap3A_10] : memref<2000x128xf32, #tpu.memory_space<vmem>>, vector<2000x128xf32>
    tpu.vector_store %arg3[%swap3A, %swap3A_10], %dot_general3A_9 {strides = array<i32>} : memref<2000x128xf32, #tpu.memory_space<vmem>>, vector<2000x128xf32>,
    return
  }
  func.func @transform_0(%arg0: i32) -> (i32, i32, i32) {
    %c0_i32 = arith.constant 0 : i32
    %c0_i32_0 = arith.constant 0 : i32
    %c0_i32_1 = arith.constant 0 : i32
    return %arg0, %c0_i32, %c0_i32_0 : i32, i32, i32
  }
  func.func @transform_1(%arg0: i32) -> (i32, i32) {
    %c0_i32 = arith.constant 0 : i32
    %c0_i32_0 = arith.constant 0 : i32
    %c0_i32_1 = arith.constant 0 : i32
    return %c0_i32, %c0_i32_0 : i32, i32
  }
  func.func @transform_2(%arg0: i32) -> (i32, i32) {
    %c0_i32 = arith.constant 0 : i32
    %c0_i32_0 = arith.constant 0 : i32
    return %arg0, %c0_i32 : i32, i32
  }
}

module attributes {stable_mosaic.version = 14 : i64} {
  func.func @_tc_proc_body(%arg0: i32, %arg1: memref<10000x256xf32, #tpu.memory_space<any>>, %arg2: memref<2x256000xf32, #tpu.memory_space<vmem>>, %arg3: memref<128x128xf32, #tpu.memory_space<vmem>>, %arg4: memref<128x128xf32, #tpu.memory_space<vmem>>, %arg5: memref<1x128xf32, #tpu.memory_space<vmem>>, %arg6: memref<2000x128xf32, #tpu.memory_space<vmem>>) attributes {dimension_semantics = [#tpu.dimension_semantics<arbitrary>], iteration_bounds = array<i64: 5>, scalar_prefetch = 0 : i64, scratch_operands = 0 : i64, tpu.core_type = #tpu.core_type<tc>, window_params = [{}, {transform_indices = @transform_1, window_bounds = array<i64: 2, 256000>}, {pipeline_mode = #tpu.pipeline_mode<synchronous>, transform_indices = @transform_2, window_bounds = array<i64: 128, 128>}, {pipeline_mode = #tpu.pipeline_mode<synchronous>, transform_indices = @transform_3, window_bounds = array<i64: 128, 128>}, {pipeline_mode = #tpu.pipeline_mode<synchronous>, transform_indices = @transform_4, window_bounds = array<i64: 1, 128>}, {transform_indices = @transform_5, window_bounds = array<i64: 2000, 128>}]} {
    %get3A = arith.constant 0 : index
    %get3A_0 = arith.constant 0 : index
    %get3A_1 = vector.load %arg2[%get3A, %get3A_0] : memref<2x256000xf32, #tpu.memory_space<vmem>>, vector<1x256000xf32>
    %get3A_2 = vector.shape_cast %get3A_1 : vector<1x256000xf32> to vector<256000xf32>
    %get3A_3 = arith.constant 1 : index
    %get3A_4 = arith.constant 0 : index
    %get3A_5 = vector.load %arg2[%get3A_3, %get3A_4] : memref<2x256000xf32, #tpu.memory_space<vmem>>, vector<1x256000xf32>
    %get3A_6 = vector.shape_cast %get3A_5 : vector<1x256000xf32> to vector<256000xf32>
    %add3A = arith.addf %get3A_2, %get3A_6 : vector<256000xf32>
    %reshape3A = vector.shape_cast %add3A : vector<256000xf32> to vector<2000x128xf32>
    %reduce_sum3A = arith.constant dense<0.000000e+00> : vector<2000xf32>
    %reduce_sum3A_7 = vector.multi_reduction <add>, %reshape3A, %reduce_sum3A [1] : vector<2000x128xf32> to vector<2000xf32>
    %broadcast_in_dim3A = vector.shape_cast %reduce_sum3A_7 : vector<2000xf32> to vector<2000x1xf32>
    %get3A_8 = arith.constant 0 : index
    %get3A_9 = arith.constant 0 : index
    %get3A_10 = vector.load %arg3[%get3A_8, %get3A_9] : memref<128x128xf32, #tpu.memory_space<vmem>>, vector<128x128xf32>
    %dot_general3A = arith.constant dense<0.000000e+00> : vector<2000x128xf32>
    %dot_general3A_11 = tpu.matmul %reshape3A, %get3A_10, %dot_general3A {dimension_numbers = #tpu.dot_dimension_numbers<[1], [0], [0], [1], [0, 0, 1, 1], [], []>, transpose_lhs_hint = false} : vector<2000x128xf32>, vector<128x128xf32>, vector<2000x128xf32> -> vector<2000x128xf32>
    %max3A = arith.constant 1.000000e+00 : f32
    %max3A_12 = vector.broadcast %max3A : f32 to vector<2000x1xf32>
    %max3A_13 = arith.maximumf %broadcast_in_dim3A, %max3A_12 : vector<2000x1xf32>
    %div3A = vector.broadcast %max3A_13 : vector<2000x1xf32> to vector<2000x128xf32>
    %div3A_14 = arith.divf %dot_general3A_11, %div3A : vector<2000x128xf32>
    %get3A_15 = arith.constant 0 : index
    %get3A_16 = arith.constant 0 : index
    %get3A_17 = vector.load %arg4[%get3A_15, %get3A_16] : memref<128x128xf32, #tpu.memory_space<vmem>>, vector<128x128xf32>
    %dot_general3A_18 = arith.constant dense<0.000000e+00> : vector<2000x128xf32>
    %dot_general3A_19 = tpu.matmul %div3A_14, %get3A_17, %dot_general3A_18 {dimension_numbers = #tpu.dot_dimension_numbers<[1], [0], [0], [1], [0, 0, 1, 1], [], []>, transpose_lhs_hint = false} : vector<2000x128xf32>, vector<128x128xf32>, vector<2000x128xf32> -> vector<2000x128xf32>
    %get3A_20 = arith.constant 0 : index
    %get3A_21 = arith.constant 0 : index
    %get3A_22 = vector.load %arg5[%get3A_20, %get3A_21] : memref<1x128xf32, #tpu.memory_space<vmem>>, vector<1x128xf32>
    %add3A_23 = vector.broadcast %get3A_22 : vector<1x128xf32> to vector<2000x128xf32>
    %add3A_24 = arith.addf %dot_general3A_19, %add3A_23 : vector<2000x128xf32>
    %max3A_25 = arith.constant 0.000000e+00 : f32
    %max3A_26 = vector.broadcast %max3A_25 : f32 to vector<2000x128xf32>
    %max3A_27 = arith.maximumf %add3A_24, %max3A_26 : vector<2000x128xf32>
    %swap3A = arith.constant 0 : index
    %swap3A_28 = arith.constant 0 : index
    %swap3A_29 = vector.load %arg6[%swap3A, %swap3A_28] : memref<2000x128xf32, #tpu.memory_space<vmem>>, vector<2000x128xf32>
    tpu.vector_store %arg6[%swap3A, %swap3A_28], %max3A_27 {strides = array<i32>} : memref<2000x128xf32, #tpu.memory_space<vmem>>, vector<2000x128xf32>,
    return
  }
  func.func @transform_1(%arg0: i32) -> (i32, i32) {
    %c0_i32 = arith.constant 0 : i32
    %c0_i32_0 = arith.constant 0 : i32
    return %c0_i32, %arg0 : i32, i32
  }
  func.func @transform_2(%arg0: i32) -> (i32, i32) {
    %c0_i32 = arith.constant 0 : i32
    %c0_i32_0 = arith.constant 0 : i32
    %c0_i32_1 = arith.constant 0 : i32
    return %c0_i32, %c0_i32_0 : i32, i32
  }
  func.func @transform_3(%arg0: i32) -> (i32, i32) {
    %c0_i32 = arith.constant 0 : i32
    %c0_i32_0 = arith.constant 0 : i32
    %c0_i32_1 = arith.constant 0 : i32
    return %c0_i32, %c0_i32_0 : i32, i32
  }
  func.func @transform_4(%arg0: i32) -> (i32, i32) {
    %c0_i32 = arith.constant 0 : i32
    %c0_i32_0 = arith.constant 0 : i32
    %c0_i32_1 = arith.constant 0 : i32
    return %c0_i32, %c0_i32_0 : i32, i32
  }
  func.func @transform_5(%arg0: i32) -> (i32, i32) {
    %c1_i32 = arith.constant 1 : i32
    %c0_i32 = arith.constant 0 : i32
    return %arg0, %c1_i32 : i32, i32
  }
}

</mosaic_0001>

<sc_bundles>
// kernel: kernel.5.cloned.1.call-start
scs
__scs_entry_jumppad:
0x0: {  	(pc) =	sbr.rel $0x88, $3  }
0x1: {  	(tag) =	ssettag $0x0;
	lr =	simm.s32 $0x1  }
0x2: {  	[smem:$0x3F9C] =	sst lr;
	_ =	strace $0xD0000000  }
0x3: {  	_ = 	snop  }
0x4: {  	_ = 	snop  }
0x5: {  	_ = 	snop  }
0x6: {  	_ = 	snop  }
0x7: {  	_ = 	snop  }
__scs_overlays_trampoline_lowered:
0x8: {  	[smem:$0x3FAB] =	sst s0  }
0x9: {  	[smem:$0x3FAC] =	sst s1  }
0xa: {  	[smem:$0x3FAD] =	sst s2  }
0xb: {  	[smem:$0x3FAE] =	sst s3  }
0xc: {  	[smem:$0x3FAF] =	sst s4  }
0xd: {  	[smem:$0x3FB0] =	sst s5  }
0xe: {  	[smem:$0x3FB1] =	sst s6  }
0xf: {  	[smem:$0x3FB2] =	sst s7  }
0x10: {  	[smem:$0x3FB3] =	sst s8  }
0x11: {  	[smem:$0x3FB4] =	sst s9;
	s0 =	simm.s32 @!p0 $0x0  }
0x12: {  	s1 =	sld [smem:$0x3F9A];
	s0 =	simm.s32 @p0 $0x1  }
0x13: {  	[smem:$0x3FB5] =	sst s0;
	s0 =	simm.s32 @!p1 $0x0  }
0x14: {  	s2 =	sld [smem:$0x3F99];
	s0 =	simm.s32 @p1 $0x1  }
0x15: {  	[smem:$0x3FB6] =	sst s0;
	s0 =	simm.s32 @!p2 $0x0  }
0x16: {  	s3 =	sld [smem:$0x3FDB];
	s0 =	simm.s32 @p2 $0x1  }
0x17: {  	s4 =	simm.s32 $0x1BF5;
	[smem:$0x3FB8] =	sst s0  }
0x18: {  	s0 =	sld [smem:$0x3F9B];
	_ =	swait.ge [sflag:s4], $0x0  }
0x19: {  	s7 =	sld [smem:$0x3F9C]  }
0x1a: {  	s8 =	sadd.s32 $0xFFFFE003, lr  }
0x1b: {  	s9 =	sadd.s32 $0xFFFFFEF7, lr;
	s5 =	simm.s32 $0xFFFFFFFF;
	p2 =	slt.u32 s8, $0xFFFFF086  }
0x1c: {  	p1 =	slt.u32 s9, $0xF7A;
	s5 =	simm.s32 @!p2 $0x0  }
0x1d: {  	s5 =	simm.s32 @p1 $0x1;
	p0 =	seq.s32 s7, s2  }
0x1e: {  	s7 =	smul.u32 @!p0 $0xF7A, s2;
	p2 =	seq.s32 @!p0 s5, $0x0  }
0x1f: {  	s9 =	smul.u32 $0xF7A, s1;
	s8 =	simm.s32 @!p0 $0x1BF5;
	p2 =	por !p2, p0  }
0x20: {  	[sflag:s8] =	ssyncset.s32 @!p0 $0xFFFFF086;
	s6 =	sadd.s32 @!p0 s3, s7;
	s7 =	simm.s32 @!p0 $0x108  }
0x21: {  	s3 =	sadd.s32 s3, s9;
	s6 =	sadd.s32 @!p0 $0x88, s6;
	s7 =	simm.s32 @p2 $0x1082  }
0x22: {  	[simem:s7], [sflag:s8] =	dma.local @!p0 [hbm:s6], $0xF7A  }
0x23: {  	s9 =	sor.u32 $0xD0000000, s2;
	s6 =	simm.s32 $0x108;
	_ =	swait.ge @!p0 [sflag:s8], $0x0  }
0x24: {  	s3 =	sadd.s32 $0x88, s3;
	s6 =	simm.s32 @!p1 $0x1082;
	[sflag:s4] =	ssyncset.s32 $0xFFFFF086  }
0x25: {  	[simem:s6], [sflag:s4] =	dma.local [hbm:s3], $0xF7A  }
0x26: {  	[smem:$0x3F9C] =	sst s1;
	(tag) =	ssettag s2;
	_ =	strace s9  }
0x27: {  	s1 =	sld [smem:$0x3FAC]  }
0x28: {  	s2 =	sld [smem:$0x3FAD]  }
0x29: {  	s4 =	sld [smem:$0x3FAF]  }
0x2a: {  	p0 =	seq.s32 s5, $0x0;
	s5 =	sld [smem:$0x3FB0]  }
0x2b: {  	s6 =	sld [smem:$0x3FB1]  }
0x2c: {  	s7 =	sld [smem:$0x3FB2]  }
0x2d: {  	s3 =	simm.s32 $0x108;
	s8 =	sld [smem:$0x3FB3]  }
0x2e: {  	s3 =	simm.s32 @!p0 $0x1082;
	s9 =	sld [smem:$0x3FB4]  }
0x2f: {  	lr =	sadd.s32 s0, s3;
	s0 =	sld [smem:$0x3FAB]  }
0x30: {  	s3 =	sld [smem:$0x3FAE]  }
0x31: {  	[smem:$0x3FB7] =	sst s10  }
0x32: {  	s10 =	sld [smem:$0x3FB5];
	_ =	sdelay $0x3  }
0x33: {  	p0 =	seq.s32 s10, $0x1;
	s10 =	sld [smem:$0x3FB7];
	_ =	sdelay $0x3  }
0x34: {  	[smem:$0x3FB7] =	sst s10  }
0x35: {  	s10 =	sld [smem:$0x3FB6];
	_ =	sdelay $0x3  }
0x36: {  	p1 =	seq.s32 s10, $0x1;
	s10 =	sld [smem:$0x3FB7];
	_ =	sdelay $0x3  }
0x37: {  	[smem:$0x3FB7] =	sst s10  }
0x38: {  	s10 =	sld [smem:$0x3FB8]  }
0x39: {  	_ = 	snop;
	(pc) =	sbr.ind lr, $3  }
0x3a: {  	_ = 	snop  }
0x3b: {  	_ = 	snop  }
0x3c: {  	p2 =	seq.s32 s10, $0x1;
	s10 =	sld [smem:$0x3FB7]  }
0x3d: {  	_ =	shalt  }
0x3e: {  	_ =	shalt  }
0x3f: {  	_ =	shalt  }
0x40: {  	_ =	shalt  }
0x41: {  	_ =	shalt  }
0x42: {  	_ =	shalt  }
0x43: {  	_ =	shalt  }
0x44: {  	_ =	shalt  }
0x45: {  	_ =	shalt  }
0x46: {  	_ =	shalt  }
0x47: {  	_ =	shalt  }
0x48: {  	_ =	shalt  }
0x49: {  	_ =	shalt  }
0x4a: {  	_ =	shalt  }
0x4b: {  	_ =	shalt  }
0x4c: {  	_ =	shalt  }
0x4d: {  	_ =	shalt  }
0x4e: {  	_ =	shalt  }
0x4f: {  	_ =	shalt  }
0x50: {  	_ =	shalt  }
0x51: {  	_ =	shalt  }
0x52: {  	_ =	shalt  }
0x53: {  	_ =	shalt  }
0x54: {  	_ =	shalt  }
0x55: {  	_ =	shalt  }
0x56: {  	_ =	shalt  }
0x57: {  	_ =	shalt  }
0x58: {  	_ =	shalt  }
0x59: {  	_ =	shalt  }
0x5a: {  	_ =	shalt  }
0x5b: {  	_ =	shalt  }
0x5c: {  	_ =	shalt  }
0x5d: {  	_ =	shalt  }
0x5e: {  	_ =	shalt  }
0x5f: {  	_ =	shalt  }
0x60: {  	_ =	shalt  }
0x61: {  	_ =	shalt  }
0x62: {  	_ =	shalt  }
0x63: {  	_ =	shalt  }
0x64: {  	_ =	shalt  }
0x65: {  	_ =	shalt  }
0x66: {  	_ =	shalt  }
0x67: {  	_ =	shalt  }
0x68: {  	_ =	shalt  }
0x69: {  	_ =	shalt  }
0x6a: {  	_ =	shalt  }
0x6b: {  	_ =	shalt  }
0x6c: {  	_ =	shalt  }
0x6d: {  	_ =	shalt  }
0x6e: {  	_ =	shalt  }
0x6f: {  	_ =	shalt  }
0x70: {  	_ =	shalt  }
0x71: {  	_ =	shalt  }
0x72: {  	_ =	shalt  }
0x73: {  	_ =	shalt  }
0x74: {  	_ =	shalt  }
0x75: {  	_ =	shalt  }
0x76: {  	_ =	shalt  }
0x77: {  	_ =	shalt  }
0x78: {  	_ =	shalt  }
0x79: {  	_ =	shalt  }
0x7a: {  	_ =	shalt  }
0x7b: {  	_ =	shalt  }
0x7c: {  	_ =	shalt  }
0x7d: {  	_ =	shalt  }
0x7e: {  	_ =	shalt  }
0x7f: {  	_ =	shalt  }
0x80: {  	_ =	shalt  }
0x81: {  	_ =	shalt  }
0x82: {  	_ =	shalt  }
0x83: {  	_ =	shalt  }
0x84: {  	_ =	shalt  }
0x85: {  	_ =	shalt  }
0x86: {  	_ =	shalt  }
0x87: {  	_ =	shalt  }
.Lfunc_end0:
.L_simem_size_0:
called_computation_lowered:
.L_overlay_start_0:
0x88: {  	s2 =	sld [smem:$0x3FD9]  }
0x89: {  	s3 =	sld [smem:$0x3FFE];
	_ =	sdelay $0x1  }
0x8a: {  	s1 =	srdreg.scid  }
0x8b: {  	s0 =	sand.u32 $0x1, s1  }
0x8c: {  	s17 =	sshll.u32 s0, $0xA;
	s2 =	sadd.s32 s3, s2  }
0x8d: {  	s2 =	sadd.s32 s2, s17  }
0x8e: {  	[smem:$0x3FC3] =	sst s2  }
0x8f: {  	_ = 	snop  }
0x90: {  	s2 =	sld [smem:$0x3FC9]  }
0x91: {  	s18 =	sld [smem:$0x3FC8];
	(tm) =	ssettm $0x1  }
0x92: {  	s4 =	sld [smem:$0x3FFB];
	_ =	sdelay $0x3  }
0x93: {  	_ =	strace s4  }
0x94: {  	s4 =	sld [smem:$0x3FFC];
	_ =	sdelay $0x3  }
0x95: {  	_ =	strace s4  }
0x96: {  	s4 =	sld [smem:$0x3FFD];
	_ =	sdelay $0x3  }
0x97: {  	_ =	strace s4  }
0x98: {  	_ =	strace $0x8FFFFFFF  }
0x99: {  	s19 =	sld [smem:$0x3FDB];
	_ =	sdelay $0x1  }
0x9a: {  	s5 =	simm.s32 $_scs_section_size  }
0x9b: {  	s6 =	simm.s32 $_size__tile_overlayer_lowered;
	s7 =	simm.s32 $_tile_overlayer_lowered  }
0x9c: {  	s22 =	simm.s32 $0x1BFF;
	s21 =	sshll.u32 s7, $0x1;
	s4 =	sadd.s32 s5, s19  }
0x9d: {  	s8 =	simm.s32 $0x0;
	s20 =	sshll.u32 s6, $0x1;
	s6 =	sadd.s32 s21, s4  }
0x9e: {  	[timem:s8], [sflag:s22] =	dma.local [hbm:s6], s20  }
0x9f: {  	_ =	swait.ge [sflag:s22], s20  }
0xa0: {  	s5 =	ssub.s32 $0x0, s20;
	[sflag:s22] =	ssyncset.done $0x0  }
0xa1: {  	[sflag:s22] =	ssyncadd.s32 s5;
	_ =	sdelay $0x1  }
0xa2: {  	s23 =	simm.s32 $0x1B8B  }
0xa3: {  	_ =	swait.ge [sflag:s23], $0x1  }
0xa4: {  	[sflag:s23] =	ssyncset.done $0x0  }
0xa5: {  	s25 =	simm.s32 $0x1B8E;
	s24 =	sld [smem:$0x3FFE];
	[sflag:s23] =	ssyncadd.s32 $0xFFFFFFFF  }
0xa6: {  	s26 =	simm.s32 $execute0_lowered;
	[smem:$0x3FD2] =	sst s25  }
0xa7: {  	s6 =	sshll.u32 s26, $0x1;
	_ =	strace $0x80000046;
	[dreg:$0x1] =	wrdreg $0xFFFFFFFF  }
0xa8: {  	s28 =	simm.s32 $_size_execute0_lowered;
	s4 =	sadd.s32 s4, s6;
	[dreg:$0x0] =	wrdreg $0x0  }
0xa9: {  	s6 =	sshll.u32 s28, $0x1;
	[dreg:$0x2] =	wrdreg s4  }
0xaa: {  	[dreg:$0x3] =	wrdreg s6  }
0xab: {  	[dreg:$0x4] =	wrdreg $0xC0  }
0xac: {  	_ =	task [dreg:s8], $0x5FFFF  }
0xad: {  	[dreg:$0x1] =	wrdreg $0xFFFFFFFF  }
0xae: {  	[dreg:$0x0] =	wrdreg $0x60  }
0xaf: {  	[dreg:$0x2] =	wrdreg s2  }
0xb0: {  	[dreg:$0x3] =	wrdreg s18  }
0xb1: {  	[dreg:$0x4] =	wrdreg s24  }
0xb2: {  	[dreg:$0x5] =	wrdreg $0xAF000  }
0xb3: {  	[dreg:$0x6] =	wrdreg $0x9  }
0xb4: {  	_ =	task.clear_ibuf [dreg:s8], $0x7FFFF;
	_ =	strace $0x90000046  }
0xb5: {  	s29 =	simm.s32 $0x9;
	_ =	strace $0x80000048  }
0xb6: {  	_ =	swait.ge [sflag:s29], $0x1  }
0xb7: {  	[sflag:s29] =	ssyncadd.s32 $0xFFFFFFFF  }
0xb8: {  	_ =	strace $0x90000048  }
0xb9: {  	_ =	sfence  }
0xba: {  	s30 =	sld [smem:$0x0];
	_ =	sdelay $0x2  }
0xbb: {  	s31 =	sshll.u32 s1, $0xD;
	s1 =	sshrl.u32 s1, $0x2  }
0xbc: {  	s3 =	sand.u32 $0x4000, s31;
	s1 =	sadd.s32 s1, s30  }
0xbd: {  	s0 =	sor.u32 s3, s0;
	s1 =	sshll.u32 s1, $0x11  }
0xbe: {  	s0 =	sor.u32 s1, s0  }
0xbf: {  	s0 =	sadd.s32 $0x8F2B, s0  }
0xc0: {  	[sflag:s0] =	ssyncadd.remote.s32 $0x1  }
0xc1: {  	_ =	sfence.sel $0xFFFF  }
0xc2: {  	[dreg:$0x0] =	wrdreg $0xFFFFFFFF;
	(pc) =	sbr.abs _section_cstart, $3  }
0xc3: {  	[dreg:$0x1] =	wrdreg $0xFFFFFFFF  }
0xc4: {  	_ =	task.clear_ibuf [dreg:s8], $0x2FFFF;
	_ =	strace $0x9FFFFFFF  }
0xc5: {  	(tm) =	ssettm $0x7FFFFFFF  }
tec
execute0_lowered:
.L_overlay_start_1:
0x0: {  	(tag) =	ssettag $0x1  }
0x1: {  	s0 =	rddreg [dreg:$0x1]  }
0x2: {  	s1 =	rddreg [dreg:$0x2]  }
0x3: {  	s3 =	rddreg [dreg:$0x3]  }
0x4: {  	s2 =	srdreg.scid;
	s9 =	stileid.u32;
	s4 =	simm.s32 $0x0  }
0x5: {  	s13 =	simm.s32 $0x4F;
	s31 =	simm.s32 $0x80;
	s10 =	simm.s32 $0x4  }
0x6: {  	s11 =	simm.s32 $0x0;
	s14 =	simm.s32 $0x20;
	s2 =	sand.u32 $0x1, s2  }
0x7: {  	s5 =	smul.u32 $0x27100, s9;
	s7 =	sshll.u32 s9, $0x1;
	[smem:$0x7FF] =	sst s4  }
0x8: {  	s18 =	smul.u32 $0x4E200, s9;
	p0 =	slt.u32 s9, $0x2;
	s6 =	sshll.u32 s2, $0x7  }
0x9: {  	s15 =	sor.u32 s2, s7;
	_ =	strace $0x80000047;
	s2 =	ssub.s32 $0x2, s2  }
0xa: {  	s13 =	simm.s32 @!p0 $0x4E;
	p0 =	sgt.u32 s9, $0x1;
	s9 =	simm.s32 $0x3  }
0xb: {  	s5 =	sor.u32 s6, s5;
	s7 =	smul.u32 $0x4E, s15;
	s16 =	smin.u32 s15, $0x4  }
0xc: {  	s17 =	sshrl.u32 s2, $0x1;
	s19 =	sshrl.u32 s18, $0x2;
	s15 =	simm.s32 $0x10  }
0xd: {  	s5 =	sshrl.u32 s5, $0x3;
	s2 =	ssub.s32 s2, s17;
	s8 =	sadd.s32 s19, s3  }
0xe: {  	s1 =	sadd.s32 s5, s1;
	s5 =	sadd.s32 s16, s7;
	s21 =	smax.u32 s2, $0x1  }
0xf: {  	s22 =	sadd.s32 $0xFA0, s8;
	s23 =	sadd.s32 $0x1F40, s8;
	s24 =	sadd.s32 $0x2EE0, s8  }
0x10: {  	s25 =	sadd.s32 $0x3E80, s8;
	s26 =	sadd.s32 $0x4E20, s8;
	s16 =	sadd.s32 $0x5DC0, s8  }
0x11: {  	s17 =	sadd.s32 $0x6D60, s8;
	s18 =	sadd.s32 $0x7D00, s8;
	[dreg:$0x8] =	wrdreg s21  }
0x12: {  	s19 =	sadd.s32 $0x8CA0, s8;
	s28 =	sadd.s32 $0x109A0, s8;
	[dreg:$0x9] =	wrdreg s22  }
0x13: {  	s29 =	sadd.s32 $0x11940, s8;
	s30 =	sadd.s32 $0x128E0, s8;
	[dreg:$0xa] =	wrdreg s23  }
0x14: {  	s2 =	simm.s32 $0x2;
	s7 =	simm.s32 $0x9E80;
	[dreg:$0xb] =	wrdreg s24  }
0x15: {  	s5 =	sshll.u32 s5, $0x5;
	s20 =	sadd.s32 $0xE00, s1;
	[dreg:$0xc] =	wrdreg s25  }
0x16: {  	[dreg:$0xd] =	wrdreg s26;
	s21 =	sadd.s32 $0xABE0, s8;
	s22 =	sadd.s32 $0xBB80, s8  }
0x17: {  	s23 =	sadd.s32 $0xCB20, s8;
	s24 =	sadd.s32 $0xDAC0, s8;
	s25 =	sadd.s32 $0xEA60, s8  }
0x18: {  	s26 =	sadd.s32 $0xFA00, s8;
	s5 =	sadd.s32 s0, s5;
	[dreg:$0x7] =	wrdreg s20  }
0x19: {  	s1 =	simm.s32 $0x1;
	[dreg:$0x5] =	wrdreg s5;
	s5 =	sadd.s32 $0x9C0, s5  }
0x1a: {  	v0 =	vimm.f32 $0.0e+00;
	v1 =	vimm.f32 $1.000000000e+00;
	s20 =	sadd.s32 $0x9C40, s8;
	s0 =	simm.s32 $0x9F00;
	[dreg:$0x6] =	wrdreg s5  }
.LBB2_1:
0x1b: {  	s5 =	rddreg [dreg:$0x0]  }
0x1c: {  	[tilespmem:s4], [sflag:$0x1] =	stream.linear.gather [hbm4b:s5+s4], $0x2780, $0x38;
	[tilespmem:$0x1E780] =	vst v63  }
0x1d: {  	s12 =	rddreg [dreg:$0x5];
	s6 =	simm.s32 $0x2780  }
0x1e: {  	[tilespmem:s6], [sflag:$0x1] =	stream.linear.gather [hbm4b:s12+s4], $0x4E00, $0x38;
	[tilespmem:$0x1E780] =	vst v63  }
0x1f: {  	s5 =	simm.s32 @!p0 $0x0;
	s6 =	simm.s32 @!p0 $0x7580;
	s12 =	rddreg [dreg:$0x6]  }
0x20: {  	[tilespmem:s6], [sflag:$0x1] =	stream.linear.gather @!p0 [hbm4b:s12+s5], $0x100, $0x38;
	[tilespmem:$0x1E780] =	vst v63  }
0x21: {  	s5 =	simm.s32 $0x40;
	s6 =	simm.s32 $0x0  }
.LBB2_2:
0x22: {  	p1 =	sne.s32 s5, $0x3E40;
	[tilespmem:s6+$0x9F00] =	vst v0;
	s6 =	smov.u32 s5;
	s5 =	sadd.s32 $0x40, s5  }
.Ltmp0:
0x23: {  	(pc) =	sbr.rel @p1 .LBB2_2-.Ltmp0, $2  }
0x24: {  	_ =	sdelay $0x2  }
0x25: {  	s6 =	sshra.s32 s6, $0x2  }
0x26: {  	[tilespmem:s6+$0x9F00] =	vst v0  }
0x27: {  	[tilespmem:$0x9E80] =	vst v1  }
0x28: {  	[tilespmem:$0x9E90] =	vst v1  }
0x29: {  	[tilespmem:$0x9EA0] =	vst v1  }
0x2a: {  	[tilespmem:$0x9EB0] =	vst v1  }
0x2b: {  	[tilespmem:$0x9EC0] =	vst v1  }
0x2c: {  	[tilespmem:$0x9ED0] =	vst v1  }
0x2d: {  	[tilespmem:$0x9EE0] =	vst v1  }
0x2e: {  	[tilespmem:$0x9EF0] =	vst v1  }
0x2f: {  	[spmem:s8] =	stream.linear.scatter [tilespmem:s0], [sflag:$0x2], $0xFA0, $0x38;
	[tilespmem:$0x1E780] =	vst v63  }
0x30: {  	s5 =	rddreg [dreg:$0x9]  }
0x31: {  	[spmem:s5] =	stream.linear.scatter [tilespmem:s0], [sflag:$0x2], $0xFA0, $0x38;
	[tilespmem:$0x1E780] =	vst v63  }
0x32: {  	s6 =	rddreg [dreg:$0xa]  }
0x33: {  	[spmem:s6] =	stream.linear.scatter [tilespmem:s0], [sflag:$0x2], $0xFA0, $0x38;
	[tilespmem:$0x1E780] =	vst v63  }
0x34: {  	s12 =	rddreg [dreg:$0xb]  }
0x35: {  	[spmem:s12] =	stream.linear.scatter [tilespmem:s0], [sflag:$0x2], $0xFA0, $0x38;
	[tilespmem:$0x1E780] =	vst v63  }
0x36: {  	s6 =	rddreg [dreg:$0xc]  }
0x37: {  	[spmem:s6] =	stream.linear.scatter [tilespmem:s0], [sflag:$0x2], $0xFA0, $0x38;
	[tilespmem:$0x1E780] =	vst v63  }
0x38: {  	s12 =	rddreg [dreg:$0xd]  }
0x39: {  	[spmem:s12] =	stream.linear.scatter [tilespmem:s0], [sflag:$0x2], $0xFA0, $0x38;
	[tilespmem:$0x1E780] =	vst v63  }
0x3a: {  	_ = 	snop  }
0x3b: {  	[spmem:s16] =	stream.linear.scatter [tilespmem:s0], [sflag:$0x2], $0xFA0, $0x38;
	[tilespmem:$0x1E780] =	vst v63  }
0x3c: {  	_ = 	snop  }
0x3d: {  	[spmem:s17] =	stream.linear.scatter [tilespmem:s0], [sflag:$0x2], $0xFA0, $0x38;
	[tilespmem:$0x1E780] =	vst v63  }
0x3e: {  	_ = 	snop  }
0x3f: {  	[spmem:s18] =	stream.linear.scatter [tilespmem:s0], [sflag:$0x2], $0xFA0, $0x38;
	[tilespmem:$0x1E780] =	vst v63  }
0x40: {  	_ = 	snop  }
0x41: {  	[spmem:s19] =	stream.linear.scatter [tilespmem:s0], [sflag:$0x2], $0xFA0, $0x38;
	[tilespmem:$0x1E780] =	vst v63  }
0x42: {  	_ = 	snop  }
0x43: {  	[spmem:s20] =	stream.linear.scatter [tilespmem:s0], [sflag:$0x2], $0xFA0, $0x38;
	[tilespmem:$0x1E780] =	vst v63  }
0x44: {  	_ = 	snop  }
0x45: {  	[spmem:s21] =	stream.linear.scatter [tilespmem:s0], [sflag:$0x2], $0xFA0, $0x38;
	[tilespmem:$0x1E780] =	vst v63  }
0x46: {  	_ = 	snop  }
0x47: {  	[spmem:s22] =	stream.linear.scatter [tilespmem:s0], [sflag:$0x2], $0xFA0, $0x38;
	[tilespmem:$0x1E780] =	vst v63  }
0x48: {  	_ = 	snop  }
0x49: {  	[spmem:s23] =	stream.linear.scatter [tilespmem:s0], [sflag:$0x2], $0xFA0, $0x38;
	[tilespmem:$0x1E780] =	vst v63  }
0x4a: {  	_ = 	snop  }
0x4b: {  	[spmem:s24] =	stream.linear.scatter [tilespmem:s0], [sflag:$0x2], $0xFA0, $0x38;
	[tilespmem:$0x1E780] =	vst v63  }
0x4c: {  	_ = 	snop  }
0x4d: {  	[spmem:s25] =	stream.linear.scatter [tilespmem:s0], [sflag:$0x2], $0xFA0, $0x38;
	[tilespmem:$0x1E780] =	vst v63  }
0x4e: {  	_ = 	snop  }
0x4f: {  	[spmem:s26] =	stream.linear.scatter [tilespmem:s0], [sflag:$0x2], $0xFA0, $0x38;
	[tilespmem:$0x1E780] =	vst v63  }
0x50: {  	_ = 	snop  }
0x51: {  	[spmem:s28] =	stream.linear.scatter [tilespmem:s0], [sflag:$0x2], $0xFA0, $0x38;
	[tilespmem:$0x1E780] =	vst v63  }
0x52: {  	_ = 	snop  }
0x53: {  	[spmem:s29] =	stream.linear.scatter [tilespmem:s0], [sflag:$0x2], $0xFA0, $0x38;
	[tilespmem:$0x1E780] =	vst v63  }
0x54: {  	_ = 	snop  }
0x55: {  	[spmem:s30] =	stream.linear.scatter [tilespmem:s0], [sflag:$0x2], $0xFA0, $0x38;
	[tilespmem:$0x1E780] =	vst v63  }
0x56: {  	_ =	swait.ge [sflag:s1], $0x2780  }
0x57: {  	[sflag:s1] =	ssyncset.done $0x0  }
0x58: {  	[sflag:s1] =	ssyncadd.s32 $0xFFFFD880  }
0x59: {  	_ =	swait.ge [sflag:s1], $0x4E00  }
0x5a: {  	[sflag:s1] =	ssyncset.done $0x0  }
0x5b: {  	s5 =	simm.s32 @!p0 $0x1;
	[sflag:s1] =	ssyncadd.s32 $0xFFFFB200  }
0x5c: {  	_ =	swait.ge @!p0 [sflag:s5], $0x100  }
0x5d: {  	s6 =	simm.s32 $0x2800;
	[sflag:s5] =	ssyncset.done @!p0 $0x0  }
0x5e: {  	s12 =	simm.s32 $0x76C0;
	[sflag:s5] =	ssyncadd.s32 @!p0 $0xFFFFFF00;
	s5 =	smov.u32 s13  }
.LBB2_4:
0x5f: {  	v2 =	vld [tilespmem:s6+$0xFFFFFF80];
	_ =	sdelay $0x6  }
0x60: {  	v3 =	vld [tilespmem:s6+$0x0]  }
0x61: {  	v2 =	vld.idx.msk [tilespmem:v2+s4+$0x0], $0xffff;
	_ =	sdelay $0x3  }
0x62: {  	v3 =	vshll.u32 v3, $0x7  }
0x63: {  	v2 =	vadd.s32 v2, v3  }
0x64: {  	[tilespmem:s12+$0xFFFFFFC0] =	vst v2  }
0x65: {  	v2 =	vld [tilespmem:s6+$0xFFFFFF90];
	_ =	sdelay $0x6  }
0x66: {  	v3 =	vld [tilespmem:s6+$0x10]  }
0x67: {  	v2 =	vld.idx.msk [tilespmem:v2+s4+$0x0], $0xffff;
	_ =	sdelay $0x3  }
0x68: {  	v3 =	vshll.u32 v3, $0x7  }
0x69: {  	v2 =	vadd.s32 v2, v3  }
0x6a: {  	[tilespmem:s12+$0xFFFFFFD0] =	vst v2  }
0x6b: {  	v2 =	vld [tilespmem:s6+$0xFFFFFFA0];
	_ =	sdelay $0x6  }
0x6c: {  	v3 =	vld [tilespmem:s6+$0x20]  }
0x6d: {  	v2 =	vld.idx.msk [tilespmem:v2+s4+$0x0], $0xffff;
	_ =	sdelay $0x3  }
0x6e: {  	v3 =	vshll.u32 v3, $0x7  }
0x6f: {  	v2 =	vadd.s32 v2, v3  }
0x70: {  	[tilespmem:s12+$0xFFFFFFE0] =	vst v2  }
0x71: {  	v2 =	vld [tilespmem:s6+$0xFFFFFFB0];
	_ =	sdelay $0x6  }
0x72: {  	v3 =	vld [tilespmem:s6+$0x30]  }
0x73: {  	v2 =	vld.idx.msk [tilespmem:v2+s4+$0x0], $0xffff;
	_ =	sdelay $0x3  }
0x74: {  	v3 =	vshll.u32 v3, $0x7  }
0x75: {  	v2 =	vadd.s32 v2, v3  }
0x76: {  	[tilespmem:s12+$0xFFFFFFF0] =	vst v2  }
0x77: {  	v2 =	vld [tilespmem:s6+$0xFFFFFFC0];
	_ =	sdelay $0x6  }
0x78: {  	v3 =	vld [tilespmem:s6+$0x40]  }
0x79: {  	v2 =	vld.idx.msk [tilespmem:v2+s4+$0x0], $0xffff;
	_ =	sdelay $0x3  }
0x7a: {  	v3 =	vshll.u32 v3, $0x7  }
0x7b: {  	v2 =	vadd.s32 v2, v3  }
0x7c: {  	[tilespmem:s12+$0x0] =	vst v2  }
0x7d: {  	v2 =	vld [tilespmem:s6+$0xFFFFFFD0];
	_ =	sdelay $0x6  }
0x7e: {  	v3 =	vld [tilespmem:s6+$0x50]  }
0x7f: {  	v2 =	vld.idx.msk [tilespmem:v2+s4+$0x0], $0xffff;
	_ =	sdelay $0x3  }
0x80: {  	v3 =	vshll.u32 v3, $0x7  }
0x81: {  	v2 =	vadd.s32 v2, v3  }
0x82: {  	[tilespmem:s12+$0x10] =	vst v2  }
0x83: {  	v2 =	vld [tilespmem:s6+$0xFFFFFFE0];
	_ =	sdelay $0x6  }
0x84: {  	v3 =	vld [tilespmem:s6+$0x60]  }
0x85: {  	v2 =	vld.idx.msk [tilespmem:v2+s4+$0x0], $0xffff;
	_ =	sdelay $0x3  }
0x86: {  	v3 =	vshll.u32 v3, $0x7  }
0x87: {  	v2 =	vadd.s32 v2, v3  }
0x88: {  	[tilespmem:s12+$0x20] =	vst v2  }
0x89: {  	v2 =	vld [tilespmem:s6+$0xFFFFFFF0];
	_ =	sdelay $0x6  }
0x8a: {  	v3 =	vld [tilespmem:s6+$0x70]  }
0x8b: {  	v2 =	vld.idx.msk [tilespmem:v2+s4+$0x0], $0xffff  }
0x8c: {  	p1 =	sne.s32 s5, $0x1  }
.Ltmp1:
0x8d: {  	_ = 	snop;
	(pc) =	sbr.rel @p1 .LBB2_4-.Ltmp1, $4  }
0x8e: {  	_ = 	snop  }
0x8f: {  	v3 =	vshll.u32 v3, $0x7  }
0x90: {  	v2 =	vadd.s32 v2, v3  }
0x91: {  	s5 =	sadd.s32 $0xFFFFFFFF, s5;
	s6 =	sadd.s32 $0x100, s6;
	[tilespmem:s12+$0x30] =	vst v2;
	s12 =	sadd.s32 $0x80, s12  }
0x92: {  	_ =	swait.ge [sflag:s2], $0xFA0  }
0x93: {  	[sflag:s2] =	ssyncset.done $0x0  }
0x94: {  	[sflag:s2] =	ssyncadd.s32 $0xFFFFF060  }
0x95: {  	_ =	swait.ge [sflag:s2], $0xFA0  }
0x96: {  	[sflag:s2] =	ssyncset.done $0x0  }
0x97: {  	[sflag:s2] =	ssyncadd.s32 $0xFFFFF060  }
0x98: {  	_ =	swait.ge [sflag:s2], $0xFA0  }
0x99: {  	[sflag:s2] =	ssyncset.done $0x0  }
0x9a: {  	[sflag:s2] =	ssyncadd.s32 $0xFFFFF060  }
0x9b: {  	_ =	swait.ge [sflag:s2], $0xFA0  }
0x9c: {  	[sflag:s2] =	ssyncset.done $0x0  }
0x9d: {  	[sflag:s2] =	ssyncadd.s32 $0xFFFFF060  }
0x9e: {  	_ =	swait.ge [sflag:s2], $0xFA0  }
0x9f: {  	[sflag:s2] =	ssyncset.done $0x0  }
0xa0: {  	[sflag:s2] =	ssyncadd.s32 $0xFFFFF060  }
0xa1: {  	_ =	swait.ge [sflag:s2], $0xFA0  }
0xa2: {  	[sflag:s2] =	ssyncset.done $0x0  }
0xa3: {  	[sflag:s2] =	ssyncadd.s32 $0xFFFFF060  }
0xa4: {  	_ =	swait.ge [sflag:s2], $0xFA0  }
0xa5: {  	[sflag:s2] =	ssyncset.done $0x0  }
0xa6: {  	[sflag:s2] =	ssyncadd.s32 $0xFFFFF060  }
0xa7: {  	_ =	swait.ge [sflag:s2], $0xFA0  }
0xa8: {  	[sflag:s2] =	ssyncset.done $0x0  }
0xa9: {  	[sflag:s2] =	ssyncadd.s32 $0xFFFFF060  }
0xaa: {  	_ =	swait.ge [sflag:s2], $0xFA0  }
0xab: {  	[sflag:s2] =	ssyncset.done $0x0  }
0xac: {  	[sflag:s2] =	ssyncadd.s32 $0xFFFFF060  }
0xad: {  	_ =	swait.ge [sflag:s2], $0xFA0  }
0xae: {  	[sflag:s2] =	ssyncset.done $0x0  }
0xaf: {  	[sflag:s2] =	ssyncadd.s32 $0xFFFFF060  }
0xb0: {  	_ =	swait.ge [sflag:s2], $0xFA0  }
0xb1: {  	[sflag:s2] =	ssyncset.done $0x0  }
0xb2: {  	[sflag:s2] =	ssyncadd.s32 $0xFFFFF060  }
0xb3: {  	_ =	swait.ge [sflag:s2], $0xFA0  }
0xb4: {  	[sflag:s2] =	ssyncset.done $0x0  }
0xb5: {  	[sflag:s2] =	ssyncadd.s32 $0xFFFFF060  }
0xb6: {  	_ =	swait.ge [sflag:s2], $0xFA0  }
0xb7: {  	[sflag:s2] =	ssyncset.done $0x0  }
0xb8: {  	[sflag:s2] =	ssyncadd.s32 $0xFFFFF060  }
0xb9: {  	_ =	swait.ge [sflag:s2], $0xFA0  }
0xba: {  	[sflag:s2] =	ssyncset.done $0x0  }
0xbb: {  	[sflag:s2] =	ssyncadd.s32 $0xFFFFF060  }
0xbc: {  	_ =	swait.ge [sflag:s2], $0xFA0  }
0xbd: {  	[sflag:s2] =	ssyncset.done $0x0  }
0xbe: {  	[sflag:s2] =	ssyncadd.s32 $0xFFFFF060  }
0xbf: {  	_ =	swait.ge [sflag:s2], $0xFA0  }
0xc0: {  	[sflag:s2] =	ssyncset.done $0x0  }
0xc1: {  	[sflag:s2] =	ssyncadd.s32 $0xFFFFF060  }
0xc2: {  	_ =	swait.ge [sflag:s2], $0xFA0  }
0xc3: {  	[sflag:s2] =	ssyncset.done $0x0  }
0xc4: {  	[sflag:s2] =	ssyncadd.s32 $0xFFFFF060  }
0xc5: {  	_ =	swait.ge [sflag:s2], $0xFA0  }
0xc6: {  	[sflag:s2] =	ssyncset.done $0x0  }
0xc7: {  	[sflag:s2] =	ssyncadd.s32 $0xFFFFF060  }
0xc8: {  	_ =	swait.ge [sflag:s2], $0xFA0  }
0xc9: {  	[sflag:s2] =	ssyncset.done $0x0  }
0xca: {  	p1 =	sne.s32 s13, $0x1;
	[sflag:s2] =	ssyncadd.s32 $0xFFFFF060  }
.Ltmp2:
0xcb: {  	_ =	swait.ge [sflag:s2], $0xFA0;
	(pc) =	sbr.rel @!p1 .LBB2_7-.Ltmp2, $4  }
0xcc: {  	[sflag:s2] =	ssyncset.done $0x0  }
0xcd: {  	[sflag:s2] =	ssyncadd.s32 $0xFFFFF060  }
0xce: {  	s5 =	simm.s32 $0x7680;
	s6 =	sadd.s32 $0xFFFFFFFF, s13;
	[bflag:$0x0] =	sbarrier.arrive $0xFFFF  }
0xcf: {  	[spmem:s3] =	stream.indirect.scatter.add.f32 [tilespmem:s7], [sflag:$0x3], $0x1, s5, s31, $0xb8;
	[tilespmem:$0x1E780] =	vst v63  }
.LBB2_6:
0xd0: {  	p2 =	sne.s32 s6, $0x1  }
.Ltmp3:
0xd1: {  	_ = 	snop;
	(pc) =	sbr.rel @p2 .LBB2_6-.Ltmp3, $3  }
0xd2: {  	_ = 	snop  }
0xd3: {  	s6 =	sadd.s32 $0xFFFFFFFF, s6;
	s5 =	sadd.s32 $0x80, s5;
	_ =	sdelay $0x1  }
0xd4: {  	[spmem:s3] =	stream.indirect.scatter.add.f32 [tilespmem:s7], [sflag:$0x3], $0x1, s5, s31, $0xb8;
	[tilespmem:$0x1E780] =	vst v63  }
.LBB2_7:
.Ltmp4:
0xd5: {  	(pc) =	sbr.rel @!p1 .LBB2_9-.Ltmp4, $3  }
0xd6: {  	_ =	sdelay $0x1  }
0xd7: {  	_ =	swait.ge [sflag:s9], $0x80  }
0xd8: {  	s5 =	sadd.s32 $0xFFFFFFFF, s13;
	[sflag:s9] =	ssyncset.done $0x0  }
.LBB2_8:
0xd9: {  	p1 =	sne.s32 s5, $0x1;
	s5 =	sadd.s32 $0xFFFFFFFF, s5;
	[sflag:s9] =	ssyncadd.s32 $0xFFFFFF80  }
.Ltmp5:
0xda: {  	(pc) =	sbr.rel @p1 .LBB2_8-.Ltmp5, $3  }
0xdb: {  	_ =	sdelay $0x1  }
0xdc: {  	_ =	swait.ge [sflag:s9], $0x80  }
0xdd: {  	[sflag:s9] =	ssyncset.done $0x0  }
.LBB2_9:
0xde: {  	[sflag:s9] =	ssyncadd.s32 $0xFFFFFF80;
	s5 =	stileid.u32  }
0xdf: {  	s5 =	sshll.u32 s5, $0x6;
	[bflag:$0x0] =	sbarrier.arrive $0xFFFF  }
0xe0: {  	s6 =	sshrl.u32 s8, $0x3;
	s5 =	sor.u32 $0x1C04, s5;
	s12 =	rddreg [dreg:$0x7]  }
0xe1: {  	[hbm:s12@s14], [sflag:s5] =	dma.strided [spmem:s6@s15], $0x2710, s1, $0x10   }
0xe2: {  	_ =	swait.ge [sflag:s10], $0x2710  }
0xe3: {  	s11 =	sadd.s32 $0x1, s11;
	s12 =	rddreg [dreg:$0x8]  }
0xe4: {  	p1 =	sne.s32 s11, s12  }
.Ltmp6:
0xe5: {  	_ = 	snop;
	(pc) =	sbr.rel @p1 .LBB2_1-.Ltmp6, $3  }
0xe6: {  	_ =	sdelay $0x1  }
0xe7: {  	[sflag:s10] =	ssyncset.done $0x0  }
0xe8: {  	[sflag:s10] =	ssyncadd.s32 $0xFFFFD8F0  }
0xe9: {  	_ =	sfence.sel $0x180000  }
0xea: {  	[bflag:$0x0] =	sbarrier.arrive $0xFFFF  }
0xeb: {  	_ =	strace $0x90000047  }
0xec: {  	s0 =	stileid.u32;
	[bflag:$0x2] =	sbarrier.arrive $0xFFFF  }
0xed: {  	p0 =	sne.s32 s0, $0x0;
	s0 =	rddreg [dreg:$0x4]  }
0xee: {  	s0 =	sadd.s32 @!p0 $0x100000, s0  }
0xef: {  	[sflag:s0] =	ssyncadd.tile.s32 @!p0 $0x1;
	_ =	shalt  }
.Lfunc_end2:
_tile_overlayer_lowered:
.L_overlay_start_2:
0xf0: {  	(tag) =	ssettag $0x2  }
0xf1: {  	s0 =	rddreg [dreg:$0x0];
	s2 =	stileid.u32  }
0xf2: {  	s1 =	rddreg [dreg:$0x1];
	p0 =	sne.s32 s2, $0x0  }
0xf3: {  	s3 =	rddreg [dreg:$0x2];
	[bflag:$0x3] =	sbarrier.arrive $0xFFFF;
	s2 =	simm.s32 @!p0 $0x1C04  }
0xf4: {  	[timem:s3], [sflag:s2] =	dma.local @!p0 [hbm:s0], s1  }
0xf5: {  	s0 =	simm.s32 @!p0 $0x4  }
0xf6: {  	_ =	swait.ge @!p0 [sflag:s0], s1  }
0xf7: {  	s1 =	ssub.s32 @!p0 $0x0, s1;
	[sflag:s0] =	ssyncset.done @!p0 $0x0  }
0xf8: {  	[sflag:s0] =	ssyncadd.s32 @!p0 s1  }
0xf9: {  	[bflag:$0x3] =	sbarrier.arrive $0xFFFF  }
0xfa: {  	_ =	shalt  }

</sc_bundles>
